<compile_context>
chip_gen: v7x
topology: tpu7x:2x2x1
jax: 0.10.2.dev20260603
libtpu: 0.0.44.dev20260713+nightly
codegen_flags: <defaults>
</compile_context>

<pallas_src>
import jax
import jax.numpy as jnp
from jax import lax
from jax.experimental import pallas as pl
from jax.experimental.pallas import tpu as pltpu
from jax.experimental.pallas import tpu_sc as plsc

E = 320000
D = 128
N_NODES = 10000
NC = 2
NS = 16
NW = NC * NS
EPW = E // NW
B = 80
NB = EPW // B
NSLOT = 3
ROWS_PER_TILE = 624


def _neg_body(x_ref, o_ref):
    o_ref[...] = -x_ref[...]


def _negate(x):
    return pl.pallas_call(
        _neg_body,
        out_shape=jax.ShapeDtypeStruct(x.shape, x.dtype),
    )(x)


def _body(x_hbm, xn_hbm, src_hbm, dst_hbm, out_hbm,
          si, di0, di1, di2, a0, a1, a2, xs,
          sg0, sg1, sg2, ss0, ss1, ss2, sd0, sd1, sd2):
    sid = lax.axis_index("s")
    wid = sid * NC + lax.axis_index("c")
    base = wid * EPW

    r0 = sid * ROWS_PER_TILE

    @pl.when(sid < NS - 1)
    def _():
        pltpu.sync_copy(x_hbm.at[pl.ds(r0, ROWS_PER_TILE)],
                        xs.at[pl.ds(r0, ROWS_PER_TILE)])

    @pl.when(sid == NS - 1)
    def _():
        t0 = (NS - 1) * ROWS_PER_TILE
        pltpu.sync_copy(x_hbm.at[pl.ds(t0, N_NODES - t0)],
                        xs.at[pl.ds(t0, N_NODES - t0)])

    pltpu.sync_copy(src_hbm.at[wid], si)
    plsc.subcore_barrier()

    a = (a0, a1, a2)
    di = (di0, di1, di2)
    sg = (sg0, sg1, sg2)
    ss = (ss0, ss1, ss2)
    sd = (sd0, sd1, sd2)

    def ig_start(g, b):
        pltpu.async_copy(dst_hbm.at[wid * NB + g], di[b], sd[b])
        pltpu.async_copy(xs.at[si.at[g]], a[b], sg[b])

    def ig_wait(g, b):
        pltpu.make_async_copy(dst_hbm.at[wid * NB + g], di[b], sd[b]).wait()
        pltpu.make_async_copy(xs.at[si.at[g]], a[b], sg[b]).wait()

    def g2_start(g, b):
        pltpu.async_copy(xn_hbm.at[di[b].at[0]], a[b], sg[b], add=True)

    def g2_wait(g, b):
        pltpu.make_async_copy(xn_hbm.at[di[b].at[0]], a[b], sg[b]).wait()

    def s_start(g, b):
        pltpu.async_copy(a[b], out_hbm.at[pl.ds(base + g * B, B)], ss[b])

    def s_wait(g, b):
        pltpu.make_async_copy(a[b], out_hbm.at[pl.ds(base + g * B, B)],
                              ss[b]).wait()

    def steady(g, b):
        ig_wait(g, b)
        g2_start(g, b)
        s_wait(g - 2, (b - 2) % NSLOT)
        ig_start(g + 1, (b + 1) % NSLOT)
        g2_wait(g - 1, (b - 1) % NSLOT)
        s_start(g - 1, (b - 1) % NSLOT)

    ig_start(0, 0)
    ig_wait(0, 0)
    g2_start(0, 0)
    ig_start(1, 1)

    ig_wait(1, 1)
    g2_start(1, 1)
    g2_wait(0, 0)
    s_start(0, 0)
    ig_start(2, 2)

    def tri(o, carry):
        for j in range(NSLOT):
            steady(3 * o + 2 + j, (2 + j) % NSLOT)
        return carry

    lax.fori_loop(0, (NB - 3) // NSLOT, tri, 0)
    for g in range(2 + 3 * ((NB - 3) // NSLOT), NB - 1):
        steady(g, g % NSLOT)

    bl = (NB - 1) % NSLOT
    ig_wait(NB - 1, bl)
    g2_start(NB - 1, bl)
    g2_wait(NB - 2, (bl - 1) % NSLOT)
    s_start(NB - 2, (bl - 1) % NSLOT)
    s_wait(NB - 3, (bl - 2) % NSLOT)

    g2_wait(NB - 1, bl)
    s_start(NB - 1, bl)
    s_wait(NB - 2, (bl - 1) % NSLOT)
    s_wait(NB - 1, bl)


@jax.jit
def _sc_gather_sub(x, xneg, src3, dst3):
    mesh = plsc.VectorSubcoreMesh(core_axis_name="c", subcore_axis_name="s")
    return pl.kernel(
        _body,
        out_type=jax.ShapeDtypeStruct((E, D), jnp.float32),
        mesh=mesh,
        scratch_types=[
            pltpu.VMEM((NB, B), jnp.int32),
            pltpu.VMEM((1, B), jnp.int32),
            pltpu.VMEM((1, B), jnp.int32),
            pltpu.VMEM((1, B), jnp.int32),
            pltpu.VMEM((B, D), jnp.float32),
            pltpu.VMEM((B, D), jnp.float32),
            pltpu.VMEM((B, D), jnp.float32),
            pltpu.VMEM_SHARED((N_NODES, D), jnp.float32),
        ] + [pltpu.SemaphoreType.DMA] * 9,
    )(x, xneg, src3, dst3)


def kernel(x, edge_index):
    ei = edge_index.astype(jnp.int32)
    src3 = ei[0].reshape(NW, NB, B)
    dst3 = ei[1].reshape(NW * NB, 1, B)
    return _sc_gather_sub(x, _negate(x), src3, dst3)

# --- scband reference (transcript-rebuilt; emitter-appended) ---
"""Pipeline reference for scband-siamese-node-features-to-edge-features-87101936763684 (READ-ONLY COPY).

The authoritative reference and input builder live on the scoring server;
editing this copy changes nothing except your own understanding.
"""

import jax, jax.numpy as jnp
import numpy as np

def setup_inputs(seed: int = 0) -> dict:
    key = jax.random.key(seed)
    k1, k2 = jax.random.split(key)
    x = jax.random.normal(k1, (10000, 128), dtype=jnp.float32)
    edge_index = jax.random.randint(k2, (2, 320000), 0, 10000, dtype=jnp.int64)
    return {"x": x, "edge_index": edge_index}

def reference(x, edge_index):
    # Faithful translation of vertex_attr_to_edge_attr:
    # flat_edges = edge_index.T.reshape(-1); gather; reshape [E,2,d]; transpose -> [2,E,d]; diff
    E = edge_index.shape[1]
    flat_edges = jnp.transpose(edge_index, (1, 0)).reshape(-1)
    vertex_attrs = jnp.take(x, flat_edges, axis=0)
    vertex_attrs_reshaped = jnp.transpose(vertex_attrs.reshape(E, 2, x.shape[1]), (1, 0, 2))
    new_edge_attrs = vertex_attrs_reshaped[0] - vertex_attrs_reshaped[1]
    return new_edge_attrs

if __name__ == "__main__":
    import jax
    _d = setup_inputs()
    print(jax.jit(kernel)(*tuple(_d.values())))

</pallas_src>

<mosaic_0001>
#map = affine_map<(d0, d1) -> (0, 0)>
#map1 = affine_map<(d0, d1) -> (0, 0, 0)>
module attributes {stable_mosaic.version = 14 : i64} {
  func.func @_body(%arg0: i32, %arg1: i32, %arg2: memref<10000x128xf32, #tpu.memory_space<hbm>>, %arg3: memref<10000x128xf32, #tpu.memory_space<hbm>>, %arg4: memref<32x125x80xi32, #tpu.memory_space<hbm>>, %arg5: memref<4000x1x80xi32, #tpu.memory_space<hbm>>, %arg6: memref<320000x128xf32, #tpu.memory_space<hbm>>, %arg7: memref<125x80xi32, #tpu.memory_space<vmem>>, %arg8: memref<1x80xi32, #tpu.memory_space<vmem>>, %arg9: memref<1x80xi32, #tpu.memory_space<vmem>>, %arg10: memref<1x80xi32, #tpu.memory_space<vmem>>, %arg11: memref<80x128xf32, #tpu.memory_space<vmem>>, %arg12: memref<80x128xf32, #tpu.memory_space<vmem>>, %arg13: memref<80x128xf32, #tpu.memory_space<vmem>>, %arg14: memref<10000x128xf32, #tpu.memory_space<vmem_shared>>, %arg15: memref<!tpu.dma_semaphore, #tpu.memory_space<semaphore_mem>>, %arg16: memref<!tpu.dma_semaphore, #tpu.memory_space<semaphore_mem>>, %arg17: memref<!tpu.dma_semaphore, #tpu.memory_space<semaphore_mem>>, %arg18: memref<!tpu.dma_semaphore, #tpu.memory_space<semaphore_mem>>, %arg19: memref<!tpu.dma_semaphore, #tpu.memory_space<semaphore_mem>>, %arg20: memref<!tpu.dma_semaphore, #tpu.memory_space<semaphore_mem>>, %arg21: memref<!tpu.dma_semaphore, #tpu.memory_space<semaphore_mem>>, %arg22: memref<!tpu.dma_semaphore, #tpu.memory_space<semaphore_mem>>, %arg23: memref<!tpu.dma_semaphore, #tpu.memory_space<semaphore_mem>>) attributes {dimension_semantics = [#tpu.dimension_semantics<core_parallel>, #tpu.dimension_semantics<subcore_parallel>], iteration_bounds = array<i64: 2, 16>, scalar_prefetch = 0 : i64, scratch_operands = 17 : i64, tpu.core_type = #tpu.core_type<sc_vector_subcore>, window_params = [{transform_indices = #map}, {transform_indices = #map}, {transform_indices = #map1}, {transform_indices = #map1}, {transform_indices = #map}]} {
    %mul3A = arith.constant 2 : i32
    %mul3A_0 = arith.muli %arg1, %mul3A : i32
    %add3A = arith.addi %mul3A_0, %arg0 : i32
    %mul3A_1 = arith.constant 10000 : i32
    %mul3A_2 = arith.muli %add3A, %mul3A_1 : i32
    %mul3A_3 = arith.constant 624 : i32
    %mul3A_4 = arith.muli %arg1, %mul3A_3 : i32
    %lt3A = arith.constant 15 : i32
    %lt3A_5 = arith.cmpi slt, %arg1, %lt3A : i32
    %convert_element_type3A = arith.extui %lt3A_5 : i1 to i32
    %cond3A = arith.constant 0 : i32
    %cond3A_6 = arith.cmpi ne, %convert_element_type3A, %cond3A : i32
    scf.if %cond3A_6 {
      "tpu.region"() ({
        %run_scoped3A = tpu.sem_alloc : memref<!tpu.dma_semaphore, #tpu.memory_space<semaphore_mem>>
        %dma_start3A_334 = arith.constant 0 : i32
        %dma_start3A_335 = tpu.memref_slice %arg14[%mul3A_4, %dma_start3A_334] : memref<10000x128xf32, #tpu.memory_space<vmem_shared>> -> memref<624x128xf32, #tpu.memory_space<vmem_shared>>
        %dma_start3A_336 = arith.constant 0 : i32
        %dma_start3A_337 = tpu.memref_slice %arg2[%mul3A_4, %dma_start3A_336] : memref<10000x128xf32, #tpu.memory_space<hbm>> -> memref<624x128xf32, #tpu.memory_space<hbm>>
        tpu.enqueue_dma source(%dma_start3A_337 : memref<624x128xf32, #tpu.memory_space<hbm>>) target(%dma_start3A_335 : memref<624x128xf32, #tpu.memory_space<vmem_shared>>) target_semaphore(%run_scoped3A : memref<!tpu.dma_semaphore, #tpu.memory_space<semaphore_mem>>)
        %dma_wait3A_338 = arith.constant 0 : i32
        %dma_wait3A_339 = tpu.memref_slice %arg14[%mul3A_4, %dma_wait3A_338] : memref<10000x128xf32, #tpu.memory_space<vmem_shared>> -> memref<624x128xf32, #tpu.memory_space<vmem_shared>>
        %dma_wait3A_340 = arith.constant 0 : i32
        %dma_wait3A_341 = tpu.memref_slice %arg2[%mul3A_4, %dma_wait3A_340] : memref<10000x128xf32, #tpu.memory_space<hbm>> -> memref<624x128xf32, #tpu.memory_space<hbm>>
        tpu.wait_dma2 semaphore(%run_scoped3A : memref<!tpu.dma_semaphore, #tpu.memory_space<semaphore_mem>>) src(%dma_wait3A_341 : memref<624x128xf32, #tpu.memory_space<hbm>>) dst(%dma_wait3A_339 : memref<624x128xf32, #tpu.memory_space<vmem_shared>>)
        tpu.yield
      }) : () -> ()
    } else {
    }
    %eq3A = arith.constant 15 : i32
    %eq3A_7 = arith.cmpi eq, %arg1, %eq3A : i32
    %convert_element_type3A_8 = arith.extui %eq3A_7 : i1 to i32
    %cond3A_9 = arith.constant 0 : i32
    %cond3A_10 = arith.cmpi ne, %convert_element_type3A_8, %cond3A_9 : i32
    scf.if %cond3A_10 {
      "tpu.region"() ({
        %run_scoped3A = tpu.sem_alloc : memref<!tpu.dma_semaphore, #tpu.memory_space<semaphore_mem>>
        %dma_start3A_334 = arith.constant 9360 : i32
        %dma_start3A_335 = arith.constant 0 : i32
        %dma_start3A_336 = tpu.memref_slice %arg14[%dma_start3A_334, %dma_start3A_335] : memref<10000x128xf32, #tpu.memory_space<vmem_shared>> -> memref<640x128xf32, #tpu.memory_space<vmem_shared>>
        %dma_start3A_337 = arith.constant 9360 : i32
        %dma_start3A_338 = arith.constant 0 : i32
        %dma_start3A_339 = tpu.memref_slice %arg2[%dma_start3A_337, %dma_start3A_338] : memref<10000x128xf32, #tpu.memory_space<hbm>> -> memref<640x128xf32, #tpu.memory_space<hbm>>
        tpu.enqueue_dma source(%dma_start3A_339 : memref<640x128xf32, #tpu.memory_space<hbm>>) target(%dma_start3A_336 : memref<640x128xf32, #tpu.memory_space<vmem_shared>>) target_semaphore(%run_scoped3A : memref<!tpu.dma_semaphore, #tpu.memory_space<semaphore_mem>>)
        %dma_wait3A_340 = arith.constant 9360 : i32
        %dma_wait3A_341 = arith.constant 0 : i32
        %dma_wait3A_342 = tpu.memref_slice %arg14[%dma_wait3A_340, %dma_wait3A_341] : memref<10000x128xf32, #tpu.memory_space<vmem_shared>> -> memref<640x128xf32, #tpu.memory_space<vmem_shared>>
        %dma_wait3A_343 = arith.constant 9360 : i32
        %dma_wait3A_344 = arith.constant 0 : i32
        %dma_wait3A_345 = tpu.memref_slice %arg2[%dma_wait3A_343, %dma_wait3A_344] : memref<10000x128xf32, #tpu.memory_space<hbm>> -> memref<640x128xf32, #tpu.memory_space<hbm>>
        tpu.wait_dma2 semaphore(%run_scoped3A : memref<!tpu.dma_semaphore, #tpu.memory_space<semaphore_mem>>) src(%dma_wait3A_345 : memref<640x128xf32, #tpu.memory_space<hbm>>) dst(%dma_wait3A_342 : memref<640x128xf32, #tpu.memory_space<vmem_shared>>)
        tpu.yield
      }) : () -> ()
    } else {
    }
    "tpu.region"() ({
      %run_scoped3A = tpu.sem_alloc : memref<!tpu.dma_semaphore, #tpu.memory_space<semaphore_mem>>
      %dma_start3A_334 = arith.constant 0 : i32
      %dma_start3A_335 = arith.constant 0 : i32
      %dma_start3A_336 = tpu.memref_slice %arg4[%add3A, %dma_start3A_334, %dma_start3A_335] : memref<32x125x80xi32, #tpu.memory_space<hbm>> -> memref<1x125x80xi32, #tpu.memory_space<hbm>>
      %dma_start3A_337 = tpu.memref_squeeze %dma_start3A_336 : memref<1x125x80xi32, #tpu.memory_space<hbm>> -> memref<125x80xi32, #tpu.memory_space<hbm>>
      %dma_start3A_338 = arith.constant 0 : i32
      %dma_start3A_339 = arith.constant 0 : i32
      %dma_start3A_340 = tpu.memref_slice %arg4[%add3A, %dma_start3A_338, %dma_start3A_339] : memref<32x125x80xi32, #tpu.memory_space<hbm>> -> memref<1x125x80xi32, #tpu.memory_space<hbm>>
      %dma_start3A_341 = tpu.memref_squeeze %dma_start3A_340 : memref<1x125x80xi32, #tpu.memory_space<hbm>> -> memref<125x80xi32, #tpu.memory_space<hbm>>
      tpu.enqueue_dma source(%dma_start3A_341 : memref<125x80xi32, #tpu.memory_space<hbm>>) target(%arg7 : memref<125x80xi32, #tpu.memory_space<vmem>>) target_semaphore(%run_scoped3A : memref<!tpu.dma_semaphore, #tpu.memory_space<semaphore_mem>>)
      %dma_wait3A_342 = arith.constant 0 : i32
      %dma_wait3A_343 = arith.constant 0 : i32
      %dma_wait3A_344 = tpu.memref_slice %arg4[%add3A, %dma_wait3A_342, %dma_wait3A_343] : memref<32x125x80xi32, #tpu.memory_space<hbm>> -> memref<1x125x80xi32, #tpu.memory_space<hbm>>
      %dma_wait3A_345 = tpu.memref_squeeze %dma_wait3A_344 : memref<1x125x80xi32, #tpu.memory_space<hbm>> -> memref<125x80xi32, #tpu.memory_space<hbm>>
      %dma_wait3A_346 = arith.constant 0 : i32
      %dma_wait3A_347 = arith.constant 0 : i32
      %dma_wait3A_348 = tpu.memref_slice %arg4[%add3A, %dma_wait3A_346, %dma_wait3A_347] : memref<32x125x80xi32, #tpu.memory_space<hbm>> -> memref<1x125x80xi32, #tpu.memory_space<hbm>>
      %dma_wait3A_349 = tpu.memref_squeeze %dma_wait3A_348 : memref<1x125x80xi32, #tpu.memory_space<hbm>> -> memref<125x80xi32, #tpu.memory_space<hbm>>
      tpu.wait_dma2 semaphore(%run_scoped3A : memref<!tpu.dma_semaphore, #tpu.memory_space<semaphore_mem>>) src(%dma_wait3A_349 : memref<125x80xi32, #tpu.memory_space<hbm>>) dst(%arg7 : memref<125x80xi32, #tpu.memory_space<vmem>>)
      tpu.yield
    }) : () -> ()
    %barrier3A = arith.constant 0 : index
    tpu.barrier barrier_id(%barrier3A)
    %mul3A_11 = arith.constant 125 : i32
    %mul3A_12 = arith.muli %add3A, %mul3A_11 : i32
    %add3A_13 = arith.constant 0 : i32
    %add3A_14 = arith.addi %mul3A_12, %add3A_13 : i32
    %dma_start3A = arith.constant 0 : i32
    %dma_start3A_15 = arith.constant 0 : i32
    %dma_start3A_16 = tpu.memref_slice %arg5[%add3A_14, %dma_start3A, %dma_start3A_15] : memref<4000x1x80xi32, #tpu.memory_space<hbm>> -> memref<1x1x80xi32, #tpu.memory_space<hbm>>
    %dma_start3A_17 = tpu.memref_squeeze %dma_start3A_16 : memref<1x1x80xi32, #tpu.memory_space<hbm>> -> memref<1x80xi32, #tpu.memory_space<hbm>>
    %dma_start3A_18 = arith.constant 0 : i32
    %dma_start3A_19 = arith.constant 0 : i32
    %dma_start3A_20 = tpu.memref_slice %arg5[%add3A_14, %dma_start3A_18, %dma_start3A_19] : memref<4000x1x80xi32, #tpu.memory_space<hbm>> -> memref<1x1x80xi32, #tpu.memory_space<hbm>>
    %dma_start3A_21 = tpu.memref_squeeze %dma_start3A_20 : memref<1x1x80xi32, #tpu.memory_space<hbm>> -> memref<1x80xi32, #tpu.memory_space<hbm>>
    tpu.enqueue_dma source(%dma_start3A_21 : memref<1x80xi32, #tpu.memory_space<hbm>>) target(%arg8 : memref<1x80xi32, #tpu.memory_space<vmem>>) target_semaphore(%arg21 : memref<!tpu.dma_semaphore, #tpu.memory_space<semaphore_mem>>)
    %dma_start3A_22 = arith.constant 0 : i32
    %dma_start3A_23 = arith.constant 0 : i32
    %dma_start3A_24 = tpu.memref_slice %arg7[%dma_start3A_22, %dma_start3A_23] : memref<125x80xi32, #tpu.memory_space<vmem>> -> memref<1x80xi32, #tpu.memory_space<vmem>>
    %dma_start3A_25 = tpu.memref_squeeze %dma_start3A_24 : memref<1x80xi32, #tpu.memory_space<vmem>> -> memref<80xi32, #tpu.memory_space<vmem>>
    %dma_start3A_26 = arith.constant 0 : i32
    %dma_start3A_27 = arith.constant 0 : i32
    %dma_start3A_28 = tpu.memref_slice %arg14[%dma_start3A_26, %dma_start3A_27] : memref<10000x128xf32, #tpu.memory_space<vmem_shared>> -> memref<10000x128xf32, #tpu.memory_space<vmem_shared>>
    tpu.enqueue_indirect_dma source(%dma_start3A_28 : memref<10000x128xf32, #tpu.memory_space<vmem_shared>>) target(%arg11 : memref<80x128xf32, #tpu.memory_space<vmem>>) offsets(%dma_start3A_25 : memref<80xi32, #tpu.memory_space<vmem>>) semaphore(%arg15 : memref<!tpu.dma_semaphore, #tpu.memory_space<semaphore_mem>>)
    %mul3A_29 = arith.constant 125 : i32
    %mul3A_30 = arith.muli %add3A, %mul3A_29 : i32
    %add3A_31 = arith.constant 0 : i32
    %add3A_32 = arith.addi %mul3A_30, %add3A_31 : i32
    %dma_wait3A = arith.constant 0 : i32
    %dma_wait3A_33 = arith.constant 0 : i32
    %dma_wait3A_34 = tpu.memref_slice %arg5[%add3A_32, %dma_wait3A, %dma_wait3A_33] : memref<4000x1x80xi32, #tpu.memory_space<hbm>> -> memref<1x1x80xi32, #tpu.memory_space<hbm>>
    %dma_wait3A_35 = tpu.memref_squeeze %dma_wait3A_34 : memref<1x1x80xi32, #tpu.memory_space<hbm>> -> memref<1x80xi32, #tpu.memory_space<hbm>>
    %dma_wait3A_36 = arith.constant 0 : i32
    %dma_wait3A_37 = arith.constant 0 : i32
    %dma_wait3A_38 = tpu.memref_slice %arg5[%add3A_32, %dma_wait3A_36, %dma_wait3A_37] : memref<4000x1x80xi32, #tpu.memory_space<hbm>> -> memref<1x1x80xi32, #tpu.memory_space<hbm>>
    %dma_wait3A_39 = tpu.memref_squeeze %dma_wait3A_38 : memref<1x1x80xi32, #tpu.memory_space<hbm>> -> memref<1x80xi32, #tpu.memory_space<hbm>>
    tpu.wait_dma2 semaphore(%arg21 : memref<!tpu.dma_semaphore, #tpu.memory_space<semaphore_mem>>) src(%dma_wait3A_39 : memref<1x80xi32, #tpu.memory_space<hbm>>) dst(%arg8 : memref<1x80xi32, #tpu.memory_space<vmem>>)
    %dma_wait3A_40 = arith.constant 0 : i32
    %dma_wait3A_41 = arith.constant 0 : i32
    %dma_wait3A_42 = tpu.memref_slice %arg7[%dma_wait3A_40, %dma_wait3A_41] : memref<125x80xi32, #tpu.memory_space<vmem>> -> memref<1x80xi32, #tpu.memory_space<vmem>>
    %dma_wait3A_43 = tpu.memref_squeeze %dma_wait3A_42 : memref<1x80xi32, #tpu.memory_space<vmem>> -> memref<80xi32, #tpu.memory_space<vmem>>
    %dma_wait3A_44 = arith.constant 0 : i32
    %dma_wait3A_45 = arith.constant 0 : i32
    %dma_wait3A_46 = tpu.memref_slice %arg14[%dma_wait3A_44, %dma_wait3A_45] : memref<10000x128xf32, #tpu.memory_space<vmem_shared>> -> memref<10000x128xf32, #tpu.memory_space<vmem_shared>>
    tpu.wait_indirect_dma semaphore(%arg15 : memref<!tpu.dma_semaphore, #tpu.memory_space<semaphore_mem>>) src(%dma_wait3A_46 : memref<10000x128xf32, #tpu.memory_space<vmem_shared>>) dst(%arg11 : memref<80x128xf32, #tpu.memory_space<vmem>>)
    %dma_start3A_47 = arith.constant 0 : i32
    %dma_start3A_48 = arith.constant 0 : i32
    %dma_start3A_49 = tpu.memref_slice %arg8[%dma_start3A_47, %dma_start3A_48] : memref<1x80xi32, #tpu.memory_space<vmem>> -> memref<1x80xi32, #tpu.memory_space<vmem>>
    %dma_start3A_50 = tpu.memref_squeeze %dma_start3A_49 : memref<1x80xi32, #tpu.memory_space<vmem>> -> memref<80xi32, #tpu.memory_space<vmem>>
    %dma_start3A_51 = arith.constant 0 : i32
    %dma_start3A_52 = arith.constant 0 : i32
    %dma_start3A_53 = tpu.memref_slice %arg3[%dma_start3A_51, %dma_start3A_52] : memref<10000x128xf32, #tpu.memory_space<hbm>> -> memref<10000x128xf32, #tpu.memory_space<hbm>>
    tpu.enqueue_indirect_dma source(%dma_start3A_53 : memref<10000x128xf32, #tpu.memory_space<hbm>>) target(%arg11 : memref<80x128xf32, #tpu.memory_space<vmem>>) offsets(%dma_start3A_50 : memref<80xi32, #tpu.memory_space<vmem>>) semaphore(%arg15 : memref<!tpu.dma_semaphore, #tpu.memory_space<semaphore_mem>>) {add = true}
    %mul3A_54 = arith.constant 125 : i32
    %mul3A_55 = arith.muli %add3A, %mul3A_54 : i32
    %add3A_56 = arith.constant 1 : i32
    %add3A_57 = arith.addi %mul3A_55, %add3A_56 : i32
    %dma_start3A_58 = arith.constant 0 : i32
    %dma_start3A_59 = arith.constant 0 : i32
    %dma_start3A_60 = tpu.memref_slice %arg5[%add3A_57, %dma_start3A_58, %dma_start3A_59] : memref<4000x1x80xi32, #tpu.memory_space<hbm>> -> memref<1x1x80xi32, #tpu.memory_space<hbm>>
    %dma_start3A_61 = tpu.memref_squeeze %dma_start3A_60 : memref<1x1x80xi32, #tpu.memory_space<hbm>> -> memref<1x80xi32, #tpu.memory_space<hbm>>
    %dma_start3A_62 = arith.constant 0 : i32
    %dma_start3A_63 = arith.constant 0 : i32
    %dma_start3A_64 = tpu.memref_slice %arg5[%add3A_57, %dma_start3A_62, %dma_start3A_63] : memref<4000x1x80xi32, #tpu.memory_space<hbm>> -> memref<1x1x80xi32, #tpu.memory_space<hbm>>
    %dma_start3A_65 = tpu.memref_squeeze %dma_start3A_64 : memref<1x1x80xi32, #tpu.memory_space<hbm>> -> memref<1x80xi32, #tpu.memory_space<hbm>>
    tpu.enqueue_dma source(%dma_start3A_65 : memref<1x80xi32, #tpu.memory_space<hbm>>) target(%arg9 : memref<1x80xi32, #tpu.memory_space<vmem>>) target_semaphore(%arg22 : memref<!tpu.dma_semaphore, #tpu.memory_space<semaphore_mem>>)
    %dma_start3A_66 = arith.constant 1 : i32
    %dma_start3A_67 = arith.constant 0 : i32
    %dma_start3A_68 = tpu.memref_slice %arg7[%dma_start3A_66, %dma_start3A_67] : memref<125x80xi32, #tpu.memory_space<vmem>> -> memref<1x80xi32, #tpu.memory_space<vmem>>
    %dma_start3A_69 = tpu.memref_squeeze %dma_start3A_68 : memref<1x80xi32, #tpu.memory_space<vmem>> -> memref<80xi32, #tpu.memory_space<vmem>>
    %dma_start3A_70 = arith.constant 0 : i32
    %dma_start3A_71 = arith.constant 0 : i32
    %dma_start3A_72 = tpu.memref_slice %arg14[%dma_start3A_70, %dma_start3A_71] : memref<10000x128xf32, #tpu.memory_space<vmem_shared>> -> memref<10000x128xf32, #tpu.memory_space<vmem_shared>>
    tpu.enqueue_indirect_dma source(%dma_start3A_72 : memref<10000x128xf32, #tpu.memory_space<vmem_shared>>) target(%arg12 : memref<80x128xf32, #tpu.memory_space<vmem>>) offsets(%dma_start3A_69 : memref<80xi32, #tpu.memory_space<vmem>>) semaphore(%arg16 : memref<!tpu.dma_semaphore, #tpu.memory_space<semaphore_mem>>)
    %mul3A_73 = arith.constant 125 : i32
    %mul3A_74 = arith.muli %add3A, %mul3A_73 : i32
    %add3A_75 = arith.constant 1 : i32
    %add3A_76 = arith.addi %mul3A_74, %add3A_75 : i32
    %dma_wait3A_77 = arith.constant 0 : i32
    %dma_wait3A_78 = arith.constant 0 : i32
    %dma_wait3A_79 = tpu.memref_slice %arg5[%add3A_76, %dma_wait3A_77, %dma_wait3A_78] : memref<4000x1x80xi32, #tpu.memory_space<hbm>> -> memref<1x1x80xi32, #tpu.memory_space<hbm>>
    %dma_wait3A_80 = tpu.memref_squeeze %dma_wait3A_79 : memref<1x1x80xi32, #tpu.memory_space<hbm>> -> memref<1x80xi32, #tpu.memory_space<hbm>>
    %dma_wait3A_81 = arith.constant 0 : i32
    %dma_wait3A_82 = arith.constant 0 : i32
    %dma_wait3A_83 = tpu.memref_slice %arg5[%add3A_76, %dma_wait3A_81, %dma_wait3A_82] : memref<4000x1x80xi32, #tpu.memory_space<hbm>> -> memref<1x1x80xi32, #tpu.memory_space<hbm>>
    %dma_wait3A_84 = tpu.memref_squeeze %dma_wait3A_83 : memref<1x1x80xi32, #tpu.memory_space<hbm>> -> memref<1x80xi32, #tpu.memory_space<hbm>>
    tpu.wait_dma2 semaphore(%arg22 : memref<!tpu.dma_semaphore, #tpu.memory_space<semaphore_mem>>) src(%dma_wait3A_84 : memref<1x80xi32, #tpu.memory_space<hbm>>) dst(%arg9 : memref<1x80xi32, #tpu.memory_space<vmem>>)
    %dma_wait3A_85 = arith.constant 1 : i32
    %dma_wait3A_86 = arith.constant 0 : i32
    %dma_wait3A_87 = tpu.memref_slice %arg7[%dma_wait3A_85, %dma_wait3A_86] : memref<125x80xi32, #tpu.memory_space<vmem>> -> memref<1x80xi32, #tpu.memory_space<vmem>>
    %dma_wait3A_88 = tpu.memref_squeeze %dma_wait3A_87 : memref<1x80xi32, #tpu.memory_space<vmem>> -> memref<80xi32, #tpu.memory_space<vmem>>
    %dma_wait3A_89 = arith.constant 0 : i32
    %dma_wait3A_90 = arith.constant 0 : i32
    %dma_wait3A_91 = tpu.memref_slice %arg14[%dma_wait3A_89, %dma_wait3A_90] : memref<10000x128xf32, #tpu.memory_space<vmem_shared>> -> memref<10000x128xf32, #tpu.memory_space<vmem_shared>>
    tpu.wait_indirect_dma semaphore(%arg16 : memref<!tpu.dma_semaphore, #tpu.memory_space<semaphore_mem>>) src(%dma_wait3A_91 : memref<10000x128xf32, #tpu.memory_space<vmem_shared>>) dst(%arg12 : memref<80x128xf32, #tpu.memory_space<vmem>>)
    %dma_start3A_92 = arith.constant 0 : i32
    %dma_start3A_93 = arith.constant 0 : i32
    %dma_start3A_94 = tpu.memref_slice %arg9[%dma_start3A_92, %dma_start3A_93] : memref<1x80xi32, #tpu.memory_space<vmem>> -> memref<1x80xi32, #tpu.memory_space<vmem>>
    %dma_start3A_95 = tpu.memref_squeeze %dma_start3A_94 : memref<1x80xi32, #tpu.memory_space<vmem>> -> memref<80xi32, #tpu.memory_space<vmem>>
    %dma_start3A_96 = arith.constant 0 : i32
    %dma_start3A_97 = arith.constant 0 : i32
    %dma_start3A_98 = tpu.memref_slice %arg3[%dma_start3A_96, %dma_start3A_97] : memref<10000x128xf32, #tpu.memory_space<hbm>> -> memref<10000x128xf32, #tpu.memory_space<hbm>>
    tpu.enqueue_indirect_dma source(%dma_start3A_98 : memref<10000x128xf32, #tpu.memory_space<hbm>>) target(%arg12 : memref<80x128xf32, #tpu.memory_space<vmem>>) offsets(%dma_start3A_95 : memref<80xi32, #tpu.memory_space<vmem>>) semaphore(%arg16 : memref<!tpu.dma_semaphore, #tpu.memory_space<semaphore_mem>>) {add = true}
    %dma_wait3A_99 = arith.constant 0 : i32
    %dma_wait3A_100 = arith.constant 0 : i32
    %dma_wait3A_101 = tpu.memref_slice %arg8[%dma_wait3A_99, %dma_wait3A_100] : memref<1x80xi32, #tpu.memory_space<vmem>> -> memref<1x80xi32, #tpu.memory_space<vmem>>
    %dma_wait3A_102 = tpu.memref_squeeze %dma_wait3A_101 : memref<1x80xi32, #tpu.memory_space<vmem>> -> memref<80xi32, #tpu.memory_space<vmem>>
    %dma_wait3A_103 = arith.constant 0 : i32
    %dma_wait3A_104 = arith.constant 0 : i32
    %dma_wait3A_105 = tpu.memref_slice %arg3[%dma_wait3A_103, %dma_wait3A_104] : memref<10000x128xf32, #tpu.memory_space<hbm>> -> memref<10000x128xf32, #tpu.memory_space<hbm>>
    tpu.wait_indirect_dma semaphore(%arg15 : memref<!tpu.dma_semaphore, #tpu.memory_space<semaphore_mem>>) src(%dma_wait3A_105 : memref<10000x128xf32, #tpu.memory_space<hbm>>) dst(%arg11 : memref<80x128xf32, #tpu.memory_space<vmem>>)
    %add3A_106 = arith.constant 0 : i32
    %add3A_107 = arith.addi %mul3A_2, %add3A_106 : i32
    %dma_start3A_108 = arith.constant 0 : i32
    %dma_start3A_109 = tpu.memref_slice %arg6[%add3A_107, %dma_start3A_108] : memref<320000x128xf32, #tpu.memory_space<hbm>> -> memref<80x128xf32, #tpu.memory_space<hbm>>
    %dma_start3A_110 = arith.constant 0 : i32
    %dma_start3A_111 = tpu.memref_slice %arg6[%add3A_107, %dma_start3A_110] : memref<320000x128xf32, #tpu.memory_space<hbm>> -> memref<80x128xf32, #tpu.memory_space<hbm>>
    tpu.enqueue_dma source(%arg11 : memref<80x128xf32, #tpu.memory_space<vmem>>) target(%dma_start3A_111 : memref<80x128xf32, #tpu.memory_space<hbm>>) target_semaphore(%arg18 : memref<!tpu.dma_semaphore, #tpu.memory_space<semaphore_mem>>)
    %mul3A_112 = arith.constant 125 : i32
    %mul3A_113 = arith.muli %add3A, %mul3A_112 : i32
    %add3A_114 = arith.constant 2 : i32
    %add3A_115 = arith.addi %mul3A_113, %add3A_114 : i32
    %dma_start3A_116 = arith.constant 0 : i32
    %dma_start3A_117 = arith.constant 0 : i32
    %dma_start3A_118 = tpu.memref_slice %arg5[%add3A_115, %dma_start3A_116, %dma_start3A_117] : memref<4000x1x80xi32, #tpu.memory_space<hbm>> -> memref<1x1x80xi32, #tpu.memory_space<hbm>>
    %dma_start3A_119 = tpu.memref_squeeze %dma_start3A_118 : memref<1x1x80xi32, #tpu.memory_space<hbm>> -> memref<1x80xi32, #tpu.memory_space<hbm>>
    %dma_start3A_120 = arith.constant 0 : i32
    %dma_start3A_121 = arith.constant 0 : i32
    %dma_start3A_122 = tpu.memref_slice %arg5[%add3A_115, %dma_start3A_120, %dma_start3A_121] : memref<4000x1x80xi32, #tpu.memory_space<hbm>> -> memref<1x1x80xi32, #tpu.memory_space<hbm>>
    %dma_start3A_123 = tpu.memref_squeeze %dma_start3A_122 : memref<1x1x80xi32, #tpu.memory_space<hbm>> -> memref<1x80xi32, #tpu.memory_space<hbm>>
    tpu.enqueue_dma source(%dma_start3A_123 : memref<1x80xi32, #tpu.memory_space<hbm>>) target(%arg10 : memref<1x80xi32, #tpu.memory_space<vmem>>) target_semaphore(%arg23 : memref<!tpu.dma_semaphore, #tpu.memory_space<semaphore_mem>>)
    %dma_start3A_124 = arith.constant 2 : i32
    %dma_start3A_125 = arith.constant 0 : i32
    %dma_start3A_126 = tpu.memref_slice %arg7[%dma_start3A_124, %dma_start3A_125] : memref<125x80xi32, #tpu.memory_space<vmem>> -> memref<1x80xi32, #tpu.memory_space<vmem>>
    %dma_start3A_127 = tpu.memref_squeeze %dma_start3A_126 : memref<1x80xi32, #tpu.memory_space<vmem>> -> memref<80xi32, #tpu.memory_space<vmem>>
    %dma_start3A_128 = arith.constant 0 : i32
    %dma_start3A_129 = arith.constant 0 : i32
    %dma_start3A_130 = tpu.memref_slice %arg14[%dma_start3A_128, %dma_start3A_129] : memref<10000x128xf32, #tpu.memory_space<vmem_shared>> -> memref<10000x128xf32, #tpu.memory_space<vmem_shared>>
    tpu.enqueue_indirect_dma source(%dma_start3A_130 : memref<10000x128xf32, #tpu.memory_space<vmem_shared>>) target(%arg13 : memref<80x128xf32, #tpu.memory_space<vmem>>) offsets(%dma_start3A_127 : memref<80xi32, #tpu.memory_space<vmem>>) semaphore(%arg17 : memref<!tpu.dma_semaphore, #tpu.memory_space<semaphore_mem>>)
    %scan3A = arith.constant 0 : i32
    %scan3A_131 = arith.constant 0 : i32
    %scan3A_132 = arith.constant 40 : i32
    %scan3A_133 = arith.addi %scan3A_131, %scan3A_132 : i32
    %scan3A_134 = arith.constant 1 : i32
    scf.for %scan3A_334 = %scan3A_131 to %scan3A_133 step %scan3A_134  : i32 {
      %mul3A_335 = arith.constant 3 : i32
      %mul3A_336 = arith.muli %mul3A_335, %scan3A_334 : i32
      %add3A_337 = arith.constant 2 : i32
      %add3A_338 = arith.addi %mul3A_336, %add3A_337 : i32
      %add3A_339 = arith.constant 0 : i32
      %add3A_340 = arith.addi %add3A_338, %add3A_339 : i32
      %mul3A_341 = arith.constant 125 : i32
      %mul3A_342 = arith.muli %add3A, %mul3A_341 : i32
      %add3A_343 = arith.addi %mul3A_342, %add3A_340 : i32
      %dma_wait3A_344 = arith.constant 0 : i32
      %dma_wait3A_345 = arith.constant 0 : i32
      %dma_wait3A_346 = tpu.memref_slice %arg5[%add3A_343, %dma_wait3A_344, %dma_wait3A_345] : memref<4000x1x80xi32, #tpu.memory_space<hbm>> -> memref<1x1x80xi32, #tpu.memory_space<hbm>>
      %dma_wait3A_347 = tpu.memref_squeeze %dma_wait3A_346 : memref<1x1x80xi32, #tpu.memory_space<hbm>> -> memref<1x80xi32, #tpu.memory_space<hbm>>
      %dma_wait3A_348 = arith.constant 0 : i32
      %dma_wait3A_349 = arith.constant 0 : i32
      %dma_wait3A_350 = tpu.memref_slice %arg5[%add3A_343, %dma_wait3A_348, %dma_wait3A_349] : memref<4000x1x80xi32, #tpu.memory_space<hbm>> -> memref<1x1x80xi32, #tpu.memory_space<hbm>>
      %dma_wait3A_351 = tpu.memref_squeeze %dma_wait3A_350 : memref<1x1x80xi32, #tpu.memory_space<hbm>> -> memref<1x80xi32, #tpu.memory_space<hbm>>
      tpu.wait_dma2 semaphore(%arg23 : memref<!tpu.dma_semaphore, #tpu.memory_space<semaphore_mem>>) src(%dma_wait3A_351 : memref<1x80xi32, #tpu.memory_space<hbm>>) dst(%arg10 : memref<1x80xi32, #tpu.memory_space<vmem>>)
      %dma_wait3A_352 = arith.constant 0 : i32
      %dma_wait3A_353 = tpu.memref_slice %arg7[%add3A_340, %dma_wait3A_352] : memref<125x80xi32, #tpu.memory_space<vmem>> -> memref<1x80xi32, #tpu.memory_space<vmem>>
      %dma_wait3A_354 = tpu.memref_squeeze %dma_wait3A_353 : memref<1x80xi32, #tpu.memory_space<vmem>> -> memref<80xi32, #tpu.memory_space<vmem>>
      %dma_wait3A_355 = arith.constant 0 : i32
      %dma_wait3A_356 = arith.constant 0 : i32
      %dma_wait3A_357 = tpu.memref_slice %arg14[%dma_wait3A_355, %dma_wait3A_356] : memref<10000x128xf32, #tpu.memory_space<vmem_shared>> -> memref<10000x128xf32, #tpu.memory_space<vmem_shared>>
      tpu.wait_indirect_dma semaphore(%arg17 : memref<!tpu.dma_semaphore, #tpu.memory_space<semaphore_mem>>) src(%dma_wait3A_357 : memref<10000x128xf32, #tpu.memory_space<vmem_shared>>) dst(%arg13 : memref<80x128xf32, #tpu.memory_space<vmem>>)
      %dma_start3A_358 = arith.constant 0 : i32
      %dma_start3A_359 = arith.constant 0 : i32
      %dma_start3A_360 = tpu.memref_slice %arg10[%dma_start3A_358, %dma_start3A_359] : memref<1x80xi32, #tpu.memory_space<vmem>> -> memref<1x80xi32, #tpu.memory_space<vmem>>
      %dma_start3A_361 = tpu.memref_squeeze %dma_start3A_360 : memref<1x80xi32, #tpu.memory_space<vmem>> -> memref<80xi32, #tpu.memory_space<vmem>>
      %dma_start3A_362 = arith.constant 0 : i32
      %dma_start3A_363 = arith.constant 0 : i32
      %dma_start3A_364 = tpu.memref_slice %arg3[%dma_start3A_362, %dma_start3A_363] : memref<10000x128xf32, #tpu.memory_space<hbm>> -> memref<10000x128xf32, #tpu.memory_space<hbm>>
      tpu.enqueue_indirect_dma source(%dma_start3A_364 : memref<10000x128xf32, #tpu.memory_space<hbm>>) target(%arg13 : memref<80x128xf32, #tpu.memory_space<vmem>>) offsets(%dma_start3A_361 : memref<80xi32, #tpu.memory_space<vmem>>) semaphore(%arg17 : memref<!tpu.dma_semaphore, #tpu.memory_space<semaphore_mem>>) {add = true}
      %sub3A = arith.constant 2 : i32
      %sub3A_365 = arith.subi %add3A_340, %sub3A : i32
      %mul3A_366 = arith.constant 80 : i32
      %mul3A_367 = arith.muli %sub3A_365, %mul3A_366 : i32
      %add3A_368 = arith.addi %mul3A_2, %mul3A_367 : i32
      %dma_wait3A_369 = arith.constant 0 : i32
      %dma_wait3A_370 = tpu.memref_slice %arg6[%add3A_368, %dma_wait3A_369] : memref<320000x128xf32, #tpu.memory_space<hbm>> -> memref<80x128xf32, #tpu.memory_space<hbm>>
      %dma_wait3A_371 = arith.constant 0 : i32
      %dma_wait3A_372 = tpu.memref_slice %arg6[%add3A_368, %dma_wait3A_371] : memref<320000x128xf32, #tpu.memory_space<hbm>> -> memref<80x128xf32, #tpu.memory_space<hbm>>
      tpu.wait_dma2 semaphore(%arg18 : memref<!tpu.dma_semaphore, #tpu.memory_space<semaphore_mem>>) src(%arg11 : memref<80x128xf32, #tpu.memory_space<vmem>>) dst(%dma_wait3A_372 : memref<80x128xf32, #tpu.memory_space<hbm>>)
      %add3A_373 = arith.constant 1 : i32
      %add3A_374 = arith.addi %add3A_340, %add3A_373 : i32
      %mul3A_375 = arith.constant 125 : i32
      %mul3A_376 = arith.muli %add3A, %mul3A_375 : i32
      %add3A_377 = arith.addi %mul3A_376, %add3A_374 : i32
      %dma_start3A_378 = arith.constant 0 : i32
      %dma_start3A_379 = arith.constant 0 : i32
      %dma_start3A_380 = tpu.memref_slice %arg5[%add3A_377, %dma_start3A_378, %dma_start3A_379] : memref<4000x1x80xi32, #tpu.memory_space<hbm>> -> memref<1x1x80xi32, #tpu.memory_space<hbm>>
      %dma_start3A_381 = tpu.memref_squeeze %dma_start3A_380 : memref<1x1x80xi32, #tpu.memory_space<hbm>> -> memref<1x80xi32, #tpu.memory_space<hbm>>
      %dma_start3A_382 = arith.constant 0 : i32
      %dma_start3A_383 = arith.constant 0 : i32
      %dma_start3A_384 = tpu.memref_slice %arg5[%add3A_377, %dma_start3A_382, %dma_start3A_383] : memref<4000x1x80xi32, #tpu.memory_space<hbm>> -> memref<1x1x80xi32, #tpu.memory_space<hbm>>
      %dma_start3A_385 = tpu.memref_squeeze %dma_start3A_384 : memref<1x1x80xi32, #tpu.memory_space<hbm>> -> memref<1x80xi32, #tpu.memory_space<hbm>>
      tpu.enqueue_dma source(%dma_start3A_385 : memref<1x80xi32, #tpu.memory_space<hbm>>) target(%arg8 : memref<1x80xi32, #tpu.memory_space<vmem>>) target_semaphore(%arg21 : memref<!tpu.dma_semaphore, #tpu.memory_space<semaphore_mem>>)
      %dma_start3A_386 = arith.constant 0 : i32
      %dma_start3A_387 = tpu.memref_slice %arg7[%add3A_374, %dma_start3A_386] : memref<125x80xi32, #tpu.memory_space<vmem>> -> memref<1x80xi32, #tpu.memory_space<vmem>>
      %dma_start3A_388 = tpu.memref_squeeze %dma_start3A_387 : memref<1x80xi32, #tpu.memory_space<vmem>> -> memref<80xi32, #tpu.memory_space<vmem>>
      %dma_start3A_389 = arith.constant 0 : i32
      %dma_start3A_390 = arith.constant 0 : i32
      %dma_start3A_391 = tpu.memref_slice %arg14[%dma_start3A_389, %dma_start3A_390] : memref<10000x128xf32, #tpu.memory_space<vmem_shared>> -> memref<10000x128xf32, #tpu.memory_space<vmem_shared>>
      tpu.enqueue_indirect_dma source(%dma_start3A_391 : memref<10000x128xf32, #tpu.memory_space<vmem_shared>>) target(%arg11 : memref<80x128xf32, #tpu.memory_space<vmem>>) offsets(%dma_start3A_388 : memref<80xi32, #tpu.memory_space<vmem>>) semaphore(%arg15 : memref<!tpu.dma_semaphore, #tpu.memory_space<semaphore_mem>>)
      %sub3A_392 = arith.constant 1 : i32
      %sub3A_393 = arith.subi %add3A_340, %sub3A_392 : i32
      %dma_wait3A_394 = arith.constant 0 : i32
      %dma_wait3A_395 = arith.constant 0 : i32
      %dma_wait3A_396 = tpu.memref_slice %arg9[%dma_wait3A_394, %dma_wait3A_395] : memref<1x80xi32, #tpu.memory_space<vmem>> -> memref<1x80xi32, #tpu.memory_space<vmem>>
      %dma_wait3A_397 = tpu.memref_squeeze %dma_wait3A_396 : memref<1x80xi32, #tpu.memory_space<vmem>> -> memref<80xi32, #tpu.memory_space<vmem>>
      %dma_wait3A_398 = arith.constant 0 : i32
      %dma_wait3A_399 = arith.constant 0 : i32
      %dma_wait3A_400 = tpu.memref_slice %arg3[%dma_wait3A_398, %dma_wait3A_399] : memref<10000x128xf32, #tpu.memory_space<hbm>> -> memref<10000x128xf32, #tpu.memory_space<hbm>>
      tpu.wait_indirect_dma semaphore(%arg16 : memref<!tpu.dma_semaphore, #tpu.memory_space<semaphore_mem>>) src(%dma_wait3A_400 : memref<10000x128xf32, #tpu.memory_space<hbm>>) dst(%arg12 : memref<80x128xf32, #tpu.memory_space<vmem>>)
      %sub3A_401 = arith.constant 1 : i32
      %sub3A_402 = arith.subi %add3A_340, %sub3A_401 : i32
      %mul3A_403 = arith.constant 80 : i32
      %mul3A_404 = arith.muli %sub3A_402, %mul3A_403 : i32
      %add3A_405 = arith.addi %mul3A_2, %mul3A_404 : i32
      %dma_start3A_406 = arith.constant 0 : i32
      %dma_start3A_407 = tpu.memref_slice %arg6[%add3A_405, %dma_start3A_406] : memref<320000x128xf32, #tpu.memory_space<hbm>> -> memref<80x128xf32, #tpu.memory_space<hbm>>
      %dma_start3A_408 = arith.constant 0 : i32
      %dma_start3A_409 = tpu.memref_slice %arg6[%add3A_405, %dma_start3A_408] : memref<320000x128xf32, #tpu.memory_space<hbm>> -> memref<80x128xf32, #tpu.memory_space<hbm>>
      tpu.enqueue_dma source(%arg12 : memref<80x128xf32, #tpu.memory_space<vmem>>) target(%dma_start3A_409 : memref<80x128xf32, #tpu.memory_space<hbm>>) target_semaphore(%arg19 : memref<!tpu.dma_semaphore, #tpu.memory_space<semaphore_mem>>)
      %mul3A_410 = arith.constant 3 : i32
      %mul3A_411 = arith.muli %mul3A_410, %scan3A_334 : i32
      %add3A_412 = arith.constant 2 : i32
      %add3A_413 = arith.addi %mul3A_411, %add3A_412 : i32
      %add3A_414 = arith.constant 1 : i32
      %add3A_415 = arith.addi %add3A_413, %add3A_414 : i32
      %mul3A_416 = arith.constant 125 : i32
      %mul3A_417 = arith.muli %add3A, %mul3A_416 : i32
      %add3A_418 = arith.addi %mul3A_417, %add3A_415 : i32
      %dma_wait3A_419 = arith.constant 0 : i32
      %dma_wait3A_420 = arith.constant 0 : i32
      %dma_wait3A_421 = tpu.memref_slice %arg5[%add3A_418, %dma_wait3A_419, %dma_wait3A_420] : memref<4000x1x80xi32, #tpu.memory_space<hbm>> -> memref<1x1x80xi32, #tpu.memory_space<hbm>>
      %dma_wait3A_422 = tpu.memref_squeeze %dma_wait3A_421 : memref<1x1x80xi32, #tpu.memory_space<hbm>> -> memref<1x80xi32, #tpu.memory_space<hbm>>
      %dma_wait3A_423 = arith.constant 0 : i32
      %dma_wait3A_424 = arith.constant 0 : i32
      %dma_wait3A_425 = tpu.memref_slice %arg5[%add3A_418, %dma_wait3A_423, %dma_wait3A_424] : memref<4000x1x80xi32, #tpu.memory_space<hbm>> -> memref<1x1x80xi32, #tpu.memory_space<hbm>>
      %dma_wait3A_426 = tpu.memref_squeeze %dma_wait3A_425 : memref<1x1x80xi32, #tpu.memory_space<hbm>> -> memref<1x80xi32, #tpu.memory_space<hbm>>
      tpu.wait_dma2 semaphore(%arg21 : memref<!tpu.dma_semaphore, #tpu.memory_space<semaphore_mem>>) src(%dma_wait3A_426 : memref<1x80xi32, #tpu.memory_space<hbm>>) dst(%arg8 : memref<1x80xi32, #tpu.memory_space<vmem>>)
      %dma_wait3A_427 = arith.constant 0 : i32
      %dma_wait3A_428 = tpu.memref_slice %arg7[%add3A_415, %dma_wait3A_427] : memref<125x80xi32, #tpu.memory_space<vmem>> -> memref<1x80xi32, #tpu.memory_space<vmem>>
      %dma_wait3A_429 = tpu.memref_squeeze %dma_wait3A_428 : memref<1x80xi32, #tpu.memory_space<vmem>> -> memref<80xi32, #tpu.memory_space<vmem>>
      %dma_wait3A_430 = arith.constant 0 : i32
      %dma_wait3A_431 = arith.constant 0 : i32
      %dma_wait3A_432 = tpu.memref_slice %arg14[%dma_wait3A_430, %dma_wait3A_431] : memref<10000x128xf32, #tpu.memory_space<vmem_shared>> -> memref<10000x128xf32, #tpu.memory_space<vmem_shared>>
      tpu.wait_indirect_dma semaphore(%arg15 : memref<!tpu.dma_semaphore, #tpu.memory_space<semaphore_mem>>) src(%dma_wait3A_432 : memref<10000x128xf32, #tpu.memory_space<vmem_shared>>) dst(%arg11 : memref<80x128xf32, #tpu.memory_space<vmem>>)
      %dma_start3A_433 = arith.constant 0 : i32
      %dma_start3A_434 = arith.constant 0 : i32
      %dma_start3A_435 = tpu.memref_slice %arg8[%dma_start3A_433, %dma_start3A_434] : memref<1x80xi32, #tpu.memory_space<vmem>> -> memref<1x80xi32, #tpu.memory_space<vmem>>
      %dma_start3A_436 = tpu.memref_squeeze %dma_start3A_435 : memref<1x80xi32, #tpu.memory_space<vmem>> -> memref<80xi32, #tpu.memory_space<vmem>>
      %dma_start3A_437 = arith.constant 0 : i32
      %dma_start3A_438 = arith.constant 0 : i32
      %dma_start3A_439 = tpu.memref_slice %arg3[%dma_start3A_437, %dma_start3A_438] : memref<10000x128xf32, #tpu.memory_space<hbm>> -> memref<10000x128xf32, #tpu.memory_space<hbm>>
      tpu.enqueue_indirect_dma source(%dma_start3A_439 : memref<10000x128xf32, #tpu.memory_space<hbm>>) target(%arg11 : memref<80x128xf32, #tpu.memory_space<vmem>>) offsets(%dma_start3A_436 : memref<80xi32, #tpu.memory_space<vmem>>) semaphore(%arg15 : memref<!tpu.dma_semaphore, #tpu.memory_space<semaphore_mem>>) {add = true}
      %sub3A_440 = arith.constant 2 : i32
      %sub3A_441 = arith.subi %add3A_415, %sub3A_440 : i32
      %mul3A_442 = arith.constant 80 : i32
      %mul3A_443 = arith.muli %sub3A_441, %mul3A_442 : i32
      %add3A_444 = arith.addi %mul3A_2, %mul3A_443 : i32
      %dma_wait3A_445 = arith.constant 0 : i32
      %dma_wait3A_446 = tpu.memref_slice %arg6[%add3A_444, %dma_wait3A_445] : memref<320000x128xf32, #tpu.memory_space<hbm>> -> memref<80x128xf32, #tpu.memory_space<hbm>>
      %dma_wait3A_447 = arith.constant 0 : i32
      %dma_wait3A_448 = tpu.memref_slice %arg6[%add3A_444, %dma_wait3A_447] : memref<320000x128xf32, #tpu.memory_space<hbm>> -> memref<80x128xf32, #tpu.memory_space<hbm>>
      tpu.wait_dma2 semaphore(%arg19 : memref<!tpu.dma_semaphore, #tpu.memory_space<semaphore_mem>>) src(%arg12 : memref<80x128xf32, #tpu.memory_space<vmem>>) dst(%dma_wait3A_448 : memref<80x128xf32, #tpu.memory_space<hbm>>)
      %add3A_449 = arith.constant 1 : i32
      %add3A_450 = arith.addi %add3A_415, %add3A_449 : i32
      %mul3A_451 = arith.constant 125 : i32
      %mul3A_452 = arith.muli %add3A, %mul3A_451 : i32
      %add3A_453 = arith.addi %mul3A_452, %add3A_450 : i32
      %dma_start3A_454 = arith.constant 0 : i32
      %dma_start3A_455 = arith.constant 0 : i32
      %dma_start3A_456 = tpu.memref_slice %arg5[%add3A_453, %dma_start3A_454, %dma_start3A_455] : memref<4000x1x80xi32, #tpu.memory_space<hbm>> -> memref<1x1x80xi32, #tpu.memory_space<hbm>>
      %dma_start3A_457 = tpu.memref_squeeze %dma_start3A_456 : memref<1x1x80xi32, #tpu.memory_space<hbm>> -> memref<1x80xi32, #tpu.memory_space<hbm>>
      %dma_start3A_458 = arith.constant 0 : i32
      %dma_start3A_459 = arith.constant 0 : i32
      %dma_start3A_460 = tpu.memref_slice %arg5[%add3A_453, %dma_start3A_458, %dma_start3A_459] : memref<4000x1x80xi32, #tpu.memory_space<hbm>> -> memref<1x1x80xi32, #tpu.memory_space<hbm>>
      %dma_start3A_461 = tpu.memref_squeeze %dma_start3A_460 : memref<1x1x80xi32, #tpu.memory_space<hbm>> -> memref<1x80xi32, #tpu.memory_space<hbm>>
      tpu.enqueue_dma source(%dma_start3A_461 : memref<1x80xi32, #tpu.memory_space<hbm>>) target(%arg9 : memref<1x80xi32, #tpu.memory_space<vmem>>) target_semaphore(%arg22 : memref<!tpu.dma_semaphore, #tpu.memory_space<semaphore_mem>>)
      %dma_start3A_462 = arith.constant 0 : i32
      %dma_start3A_463 = tpu.memref_slice %arg7[%add3A_450, %dma_start3A_462] : memref<125x80xi32, #tpu.memory_space<vmem>> -> memref<1x80xi32, #tpu.memory_space<vmem>>
      %dma_start3A_464 = tpu.memref_squeeze %dma_start3A_463 : memref<1x80xi32, #tpu.memory_space<vmem>> -> memref<80xi32, #tpu.memory_space<vmem>>
      %dma_start3A_465 = arith.constant 0 : i32
      %dma_start3A_466 = arith.constant 0 : i32
      %dma_start3A_467 = tpu.memref_slice %arg14[%dma_start3A_465, %dma_start3A_466] : memref<10000x128xf32, #tpu.memory_space<vmem_shared>> -> memref<10000x128xf32, #tpu.memory_space<vmem_shared>>
      tpu.enqueue_indirect_dma source(%dma_start3A_467 : memref<10000x128xf32, #tpu.memory_space<vmem_shared>>) target(%arg12 : memref<80x128xf32, #tpu.memory_space<vmem>>) offsets(%dma_start3A_464 : memref<80xi32, #tpu.memory_space<vmem>>) semaphore(%arg16 : memref<!tpu.dma_semaphore, #tpu.memory_space<semaphore_mem>>)
      %sub3A_468 = arith.constant 1 : i32
      %sub3A_469 = arith.subi %add3A_415, %sub3A_468 : i32
      %dma_wait3A_470 = arith.constant 0 : i32
      %dma_wait3A_471 = arith.constant 0 : i32
      %dma_wait3A_472 = tpu.memref_slice %arg10[%dma_wait3A_470, %dma_wait3A_471] : memref<1x80xi32, #tpu.memory_space<vmem>> -> memref<1x80xi32, #tpu.memory_space<vmem>>
      %dma_wait3A_473 = tpu.memref_squeeze %dma_wait3A_472 : memref<1x80xi32, #tpu.memory_space<vmem>> -> memref<80xi32, #tpu.memory_space<vmem>>
      %dma_wait3A_474 = arith.constant 0 : i32
      %dma_wait3A_475 = arith.constant 0 : i32
      %dma_wait3A_476 = tpu.memref_slice %arg3[%dma_wait3A_474, %dma_wait3A_475] : memref<10000x128xf32, #tpu.memory_space<hbm>> -> memref<10000x128xf32, #tpu.memory_space<hbm>>
      tpu.wait_indirect_dma semaphore(%arg17 : memref<!tpu.dma_semaphore, #tpu.memory_space<semaphore_mem>>) src(%dma_wait3A_476 : memref<10000x128xf32, #tpu.memory_space<hbm>>) dst(%arg13 : memref<80x128xf32, #tpu.memory_space<vmem>>)
      %sub3A_477 = arith.constant 1 : i32
      %sub3A_478 = arith.subi %add3A_415, %sub3A_477 : i32
      %mul3A_479 = arith.constant 80 : i32
      %mul3A_480 = arith.muli %sub3A_478, %mul3A_479 : i32
      %add3A_481 = arith.addi %mul3A_2, %mul3A_480 : i32
      %dma_start3A_482 = arith.constant 0 : i32
      %dma_start3A_483 = tpu.memref_slice %arg6[%add3A_481, %dma_start3A_482] : memref<320000x128xf32, #tpu.memory_space<hbm>> -> memref<80x128xf32, #tpu.memory_space<hbm>>
      %dma_start3A_484 = arith.constant 0 : i32
      %dma_start3A_485 = tpu.memref_slice %arg6[%add3A_481, %dma_start3A_484] : memref<320000x128xf32, #tpu.memory_space<hbm>> -> memref<80x128xf32, #tpu.memory_space<hbm>>
      tpu.enqueue_dma source(%arg13 : memref<80x128xf32, #tpu.memory_space<vmem>>) target(%dma_start3A_485 : memref<80x128xf32, #tpu.memory_space<hbm>>) target_semaphore(%arg20 : memref<!tpu.dma_semaphore, #tpu.memory_space<semaphore_mem>>)
      %mul3A_486 = arith.constant 3 : i32
      %mul3A_487 = arith.muli %mul3A_486, %scan3A_334 : i32
      %add3A_488 = arith.constant 2 : i32
      %add3A_489 = arith.addi %mul3A_487, %add3A_488 : i32
      %add3A_490 = arith.constant 2 : i32
      %add3A_491 = arith.addi %add3A_489, %add3A_490 : i32
      %mul3A_492 = arith.constant 125 : i32
      %mul3A_493 = arith.muli %add3A, %mul3A_492 : i32
      %add3A_494 = arith.addi %mul3A_493, %add3A_491 : i32
      %dma_wait3A_495 = arith.constant 0 : i32
      %dma_wait3A_496 = arith.constant 0 : i32
      %dma_wait3A_497 = tpu.memref_slice %arg5[%add3A_494, %dma_wait3A_495, %dma_wait3A_496] : memref<4000x1x80xi32, #tpu.memory_space<hbm>> -> memref<1x1x80xi32, #tpu.memory_space<hbm>>
      %dma_wait3A_498 = tpu.memref_squeeze %dma_wait3A_497 : memref<1x1x80xi32, #tpu.memory_space<hbm>> -> memref<1x80xi32, #tpu.memory_space<hbm>>
      %dma_wait3A_499 = arith.constant 0 : i32
      %dma_wait3A_500 = arith.constant 0 : i32
      %dma_wait3A_501 = tpu.memref_slice %arg5[%add3A_494, %dma_wait3A_499, %dma_wait3A_500] : memref<4000x1x80xi32, #tpu.memory_space<hbm>> -> memref<1x1x80xi32, #tpu.memory_space<hbm>>
      %dma_wait3A_502 = tpu.memref_squeeze %dma_wait3A_501 : memref<1x1x80xi32, #tpu.memory_space<hbm>> -> memref<1x80xi32, #tpu.memory_space<hbm>>
      tpu.wait_dma2 semaphore(%arg22 : memref<!tpu.dma_semaphore, #tpu.memory_space<semaphore_mem>>) src(%dma_wait3A_502 : memref<1x80xi32, #tpu.memory_space<hbm>>) dst(%arg9 : memref<1x80xi32, #tpu.memory_space<vmem>>)
      %dma_wait3A_503 = arith.constant 0 : i32
      %dma_wait3A_504 = tpu.memref_slice %arg7[%add3A_491, %dma_wait3A_503] : memref<125x80xi32, #tpu.memory_space<vmem>> -> memref<1x80xi32, #tpu.memory_space<vmem>>
      %dma_wait3A_505 = tpu.memref_squeeze %dma_wait3A_504 : memref<1x80xi32, #tpu.memory_space<vmem>> -> memref<80xi32, #tpu.memory_space<vmem>>
      %dma_wait3A_506 = arith.constant 0 : i32
      %dma_wait3A_507 = arith.constant 0 : i32
      %dma_wait3A_508 = tpu.memref_slice %arg14[%dma_wait3A_506, %dma_wait3A_507] : memref<10000x128xf32, #tpu.memory_space<vmem_shared>> -> memref<10000x128xf32, #tpu.memory_space<vmem_shared>>
      tpu.wait_indirect_dma semaphore(%arg16 : memref<!tpu.dma_semaphore, #tpu.memory_space<semaphore_mem>>) src(%dma_wait3A_508 : memref<10000x128xf32, #tpu.memory_space<vmem_shared>>) dst(%arg12 : memref<80x128xf32, #tpu.memory_space<vmem>>)
      %dma_start3A_509 = arith.constant 0 : i32
      %dma_start3A_510 = arith.constant 0 : i32
      %dma_start3A_511 = tpu.memref_slice %arg9[%dma_start3A_509, %dma_start3A_510] : memref<1x80xi32, #tpu.memory_space<vmem>> -> memref<1x80xi32, #tpu.memory_space<vmem>>
      %dma_start3A_512 = tpu.memref_squeeze %dma_start3A_511 : memref<1x80xi32, #tpu.memory_space<vmem>> -> memref<80xi32, #tpu.memory_space<vmem>>
      %dma_start3A_513 = arith.constant 0 : i32
      %dma_start3A_514 = arith.constant 0 : i32
      %dma_start3A_515 = tpu.memref_slice %arg3[%dma_start3A_513, %dma_start3A_514] : memref<10000x128xf32, #tpu.memory_space<hbm>> -> memref<10000x128xf32, #tpu.memory_space<hbm>>
      tpu.enqueue_indirect_dma source(%dma_start3A_515 : memref<10000x128xf32, #tpu.memory_space<hbm>>) target(%arg12 : memref<80x128xf32, #tpu.memory_space<vmem>>) offsets(%dma_start3A_512 : memref<80xi32, #tpu.memory_space<vmem>>) semaphore(%arg16 : memref<!tpu.dma_semaphore, #tpu.memory_space<semaphore_mem>>) {add = true}
      %sub3A_516 = arith.constant 2 : i32
      %sub3A_517 = arith.subi %add3A_491, %sub3A_516 : i32
      %mul3A_518 = arith.constant 80 : i32
      %mul3A_519 = arith.muli %sub3A_517, %mul3A_518 : i32
      %add3A_520 = arith.addi %mul3A_2, %mul3A_519 : i32
      %dma_wait3A_521 = arith.constant 0 : i32
      %dma_wait3A_522 = tpu.memref_slice %arg6[%add3A_520, %dma_wait3A_521] : memref<320000x128xf32, #tpu.memory_space<hbm>> -> memref<80x128xf32, #tpu.memory_space<hbm>>
      %dma_wait3A_523 = arith.constant 0 : i32
      %dma_wait3A_524 = tpu.memref_slice %arg6[%add3A_520, %dma_wait3A_523] : memref<320000x128xf32, #tpu.memory_space<hbm>> -> memref<80x128xf32, #tpu.memory_space<hbm>>
      tpu.wait_dma2 semaphore(%arg20 : memref<!tpu.dma_semaphore, #tpu.memory_space<semaphore_mem>>) src(%arg13 : memref<80x128xf32, #tpu.memory_space<vmem>>) dst(%dma_wait3A_524 : memref<80x128xf32, #tpu.memory_space<hbm>>)
      %add3A_525 = arith.constant 1 : i32
      %add3A_526 = arith.addi %add3A_491, %add3A_525 : i32
      %mul3A_527 = arith.constant 125 : i32
      %mul3A_528 = arith.muli %add3A, %mul3A_527 : i32
      %add3A_529 = arith.addi %mul3A_528, %add3A_526 : i32
      %dma_start3A_530 = arith.constant 0 : i32
      %dma_start3A_531 = arith.constant 0 : i32
      %dma_start3A_532 = tpu.memref_slice %arg5[%add3A_529, %dma_start3A_530, %dma_start3A_531] : memref<4000x1x80xi32, #tpu.memory_space<hbm>> -> memref<1x1x80xi32, #tpu.memory_space<hbm>>
      %dma_start3A_533 = tpu.memref_squeeze %dma_start3A_532 : memref<1x1x80xi32, #tpu.memory_space<hbm>> -> memref<1x80xi32, #tpu.memory_space<hbm>>
      %dma_start3A_534 = arith.constant 0 : i32
      %dma_start3A_535 = arith.constant 0 : i32
      %dma_start3A_536 = tpu.memref_slice %arg5[%add3A_529, %dma_start3A_534, %dma_start3A_535] : memref<4000x1x80xi32, #tpu.memory_space<hbm>> -> memref<1x1x80xi32, #tpu.memory_space<hbm>>
      %dma_start3A_537 = tpu.memref_squeeze %dma_start3A_536 : memref<1x1x80xi32, #tpu.memory_space<hbm>> -> memref<1x80xi32, #tpu.memory_space<hbm>>
      tpu.enqueue_dma source(%dma_start3A_537 : memref<1x80xi32, #tpu.memory_space<hbm>>) target(%arg10 : memref<1x80xi32, #tpu.memory_space<vmem>>) target_semaphore(%arg23 : memref<!tpu.dma_semaphore, #tpu.memory_space<semaphore_mem>>)
      %dma_start3A_538 = arith.constant 0 : i32
      %dma_start3A_539 = tpu.memref_slice %arg7[%add3A_526, %dma_start3A_538] : memref<125x80xi32, #tpu.memory_space<vmem>> -> memref<1x80xi32, #tpu.memory_space<vmem>>
      %dma_start3A_540 = tpu.memref_squeeze %dma_start3A_539 : memref<1x80xi32, #tpu.memory_space<vmem>> -> memref<80xi32, #tpu.memory_space<vmem>>
      %dma_start3A_541 = arith.constant 0 : i32
      %dma_start3A_542 = arith.constant 0 : i32
      %dma_start3A_543 = tpu.memref_slice %arg14[%dma_start3A_541, %dma_start3A_542] : memref<10000x128xf32, #tpu.memory_space<vmem_shared>> -> memref<10000x128xf32, #tpu.memory_space<vmem_shared>>
      tpu.enqueue_indirect_dma source(%dma_start3A_543 : memref<10000x128xf32, #tpu.memory_space<vmem_shared>>) target(%arg13 : memref<80x128xf32, #tpu.memory_space<vmem>>) offsets(%dma_start3A_540 : memref<80xi32, #tpu.memory_space<vmem>>) semaphore(%arg17 : memref<!tpu.dma_semaphore, #tpu.memory_space<semaphore_mem>>)
      %sub3A_544 = arith.constant 1 : i32
      %sub3A_545 = arith.subi %add3A_491, %sub3A_544 : i32
      %dma_wait3A_546 = arith.constant 0 : i32
      %dma_wait3A_547 = arith.constant 0 : i32
      %dma_wait3A_548 = tpu.memref_slice %arg8[%dma_wait3A_546, %dma_wait3A_547] : memref<1x80xi32, #tpu.memory_space<vmem>> -> memref<1x80xi32, #tpu.memory_space<vmem>>
      %dma_wait3A_549 = tpu.memref_squeeze %dma_wait3A_548 : memref<1x80xi32, #tpu.memory_space<vmem>> -> memref<80xi32, #tpu.memory_space<vmem>>
      %dma_wait3A_550 = arith.constant 0 : i32
      %dma_wait3A_551 = arith.constant 0 : i32
      %dma_wait3A_552 = tpu.memref_slice %arg3[%dma_wait3A_550, %dma_wait3A_551] : memref<10000x128xf32, #tpu.memory_space<hbm>> -> memref<10000x128xf32, #tpu.memory_space<hbm>>
      tpu.wait_indirect_dma semaphore(%arg15 : memref<!tpu.dma_semaphore, #tpu.memory_space<semaphore_mem>>) src(%dma_wait3A_552 : memref<10000x128xf32, #tpu.memory_space<hbm>>) dst(%arg11 : memref<80x128xf32, #tpu.memory_space<vmem>>)
      %sub3A_553 = arith.constant 1 : i32
      %sub3A_554 = arith.subi %add3A_491, %sub3A_553 : i32
      %mul3A_555 = arith.constant 80 : i32
      %mul3A_556 = arith.muli %sub3A_554, %mul3A_555 : i32
      %add3A_557 = arith.addi %mul3A_2, %mul3A_556 : i32
      %dma_start3A_558 = arith.constant 0 : i32
      %dma_start3A_559 = tpu.memref_slice %arg6[%add3A_557, %dma_start3A_558] : memref<320000x128xf32, #tpu.memory_space<hbm>> -> memref<80x128xf32, #tpu.memory_space<hbm>>
      %dma_start3A_560 = arith.constant 0 : i32
      %dma_start3A_561 = tpu.memref_slice %arg6[%add3A_557, %dma_start3A_560] : memref<320000x128xf32, #tpu.memory_space<hbm>> -> memref<80x128xf32, #tpu.memory_space<hbm>>
      tpu.enqueue_dma source(%arg11 : memref<80x128xf32, #tpu.memory_space<vmem>>) target(%dma_start3A_561 : memref<80x128xf32, #tpu.memory_space<hbm>>) target_semaphore(%arg18 : memref<!tpu.dma_semaphore, #tpu.memory_space<semaphore_mem>>)
    }
    %scan3A_135 = arith.constant 40 : i32
    %mul3A_136 = arith.constant 125 : i32
    %mul3A_137 = arith.muli %add3A, %mul3A_136 : i32
    %add3A_138 = arith.constant 122 : i32
    %add3A_139 = arith.addi %mul3A_137, %add3A_138 : i32
    %dma_wait3A_140 = arith.constant 0 : i32
    %dma_wait3A_141 = arith.constant 0 : i32
    %dma_wait3A_142 = tpu.memref_slice %arg5[%add3A_139, %dma_wait3A_140, %dma_wait3A_141] : memref<4000x1x80xi32, #tpu.memory_space<hbm>> -> memref<1x1x80xi32, #tpu.memory_space<hbm>>
    %dma_wait3A_143 = tpu.memref_squeeze %dma_wait3A_142 : memref<1x1x80xi32, #tpu.memory_space<hbm>> -> memref<1x80xi32, #tpu.memory_space<hbm>>
    %dma_wait3A_144 = arith.constant 0 : i32
    %dma_wait3A_145 = arith.constant 0 : i32
    %dma_wait3A_146 = tpu.memref_slice %arg5[%add3A_139, %dma_wait3A_144, %dma_wait3A_145] : memref<4000x1x80xi32, #tpu.memory_space<hbm>> -> memref<1x1x80xi32, #tpu.memory_space<hbm>>
    %dma_wait3A_147 = tpu.memref_squeeze %dma_wait3A_146 : memref<1x1x80xi32, #tpu.memory_space<hbm>> -> memref<1x80xi32, #tpu.memory_space<hbm>>
    tpu.wait_dma2 semaphore(%arg23 : memref<!tpu.dma_semaphore, #tpu.memory_space<semaphore_mem>>) src(%dma_wait3A_147 : memref<1x80xi32, #tpu.memory_space<hbm>>) dst(%arg10 : memref<1x80xi32, #tpu.memory_space<vmem>>)
    %dma_wait3A_148 = arith.constant 122 : i32
    %dma_wait3A_149 = arith.constant 0 : i32
    %dma_wait3A_150 = tpu.memref_slice %arg7[%dma_wait3A_148, %dma_wait3A_149] : memref<125x80xi32, #tpu.memory_space<vmem>> -> memref<1x80xi32, #tpu.memory_space<vmem>>
    %dma_wait3A_151 = tpu.memref_squeeze %dma_wait3A_150 : memref<1x80xi32, #tpu.memory_space<vmem>> -> memref<80xi32, #tpu.memory_space<vmem>>
    %dma_wait3A_152 = arith.constant 0 : i32
    %dma_wait3A_153 = arith.constant 0 : i32
    %dma_wait3A_154 = tpu.memref_slice %arg14[%dma_wait3A_152, %dma_wait3A_153] : memref<10000x128xf32, #tpu.memory_space<vmem_shared>> -> memref<10000x128xf32, #tpu.memory_space<vmem_shared>>
    tpu.wait_indirect_dma semaphore(%arg17 : memref<!tpu.dma_semaphore, #tpu.memory_space<semaphore_mem>>) src(%dma_wait3A_154 : memref<10000x128xf32, #tpu.memory_space<vmem_shared>>) dst(%arg13 : memref<80x128xf32, #tpu.memory_space<vmem>>)
    %dma_start3A_155 = arith.constant 0 : i32
    %dma_start3A_156 = arith.constant 0 : i32
    %dma_start3A_157 = tpu.memref_slice %arg10[%dma_start3A_155, %dma_start3A_156] : memref<1x80xi32, #tpu.memory_space<vmem>> -> memref<1x80xi32, #tpu.memory_space<vmem>>
    %dma_start3A_158 = tpu.memref_squeeze %dma_start3A_157 : memref<1x80xi32, #tpu.memory_space<vmem>> -> memref<80xi32, #tpu.memory_space<vmem>>
    %dma_start3A_159 = arith.constant 0 : i32
    %dma_start3A_160 = arith.constant 0 : i32
    %dma_start3A_161 = tpu.memref_slice %arg3[%dma_start3A_159, %dma_start3A_160] : memref<10000x128xf32, #tpu.memory_space<hbm>> -> memref<10000x128xf32, #tpu.memory_space<hbm>>
    tpu.enqueue_indirect_dma source(%dma_start3A_161 : memref<10000x128xf32, #tpu.memory_space<hbm>>) target(%arg13 : memref<80x128xf32, #tpu.memory_space<vmem>>) offsets(%dma_start3A_158 : memref<80xi32, #tpu.memory_space<vmem>>) semaphore(%arg17 : memref<!tpu.dma_semaphore, #tpu.memory_space<semaphore_mem>>) {add = true}
    %add3A_162 = arith.constant 9600 : i32
    %add3A_163 = arith.addi %mul3A_2, %add3A_162 : i32
    %dma_wait3A_164 = arith.constant 0 : i32
    %dma_wait3A_165 = tpu.memref_slice %arg6[%add3A_163, %dma_wait3A_164] : memref<320000x128xf32, #tpu.memory_space<hbm>> -> memref<80x128xf32, #tpu.memory_space<hbm>>
    %dma_wait3A_166 = arith.constant 0 : i32
    %dma_wait3A_167 = tpu.memref_slice %arg6[%add3A_163, %dma_wait3A_166] : memref<320000x128xf32, #tpu.memory_space<hbm>> -> memref<80x128xf32, #tpu.memory_space<hbm>>
    tpu.wait_dma2 semaphore(%arg18 : memref<!tpu.dma_semaphore, #tpu.memory_space<semaphore_mem>>) src(%arg11 : memref<80x128xf32, #tpu.memory_space<vmem>>) dst(%dma_wait3A_167 : memref<80x128xf32, #tpu.memory_space<hbm>>)
    %mul3A_168 = arith.constant 125 : i32
    %mul3A_169 = arith.muli %add3A, %mul3A_168 : i32
    %add3A_170 = arith.constant 123 : i32
    %add3A_171 = arith.addi %mul3A_169, %add3A_170 : i32
    %dma_start3A_172 = arith.constant 0 : i32
    %dma_start3A_173 = arith.constant 0 : i32
    %dma_start3A_174 = tpu.memref_slice %arg5[%add3A_171, %dma_start3A_172, %dma_start3A_173] : memref<4000x1x80xi32, #tpu.memory_space<hbm>> -> memref<1x1x80xi32, #tpu.memory_space<hbm>>
    %dma_start3A_175 = tpu.memref_squeeze %dma_start3A_174 : memref<1x1x80xi32, #tpu.memory_space<hbm>> -> memref<1x80xi32, #tpu.memory_space<hbm>>
    %dma_start3A_176 = arith.constant 0 : i32
    %dma_start3A_177 = arith.constant 0 : i32
    %dma_start3A_178 = tpu.memref_slice %arg5[%add3A_171, %dma_start3A_176, %dma_start3A_177] : memref<4000x1x80xi32, #tpu.memory_space<hbm>> -> memref<1x1x80xi32, #tpu.memory_space<hbm>>
    %dma_start3A_179 = tpu.memref_squeeze %dma_start3A_178 : memref<1x1x80xi32, #tpu.memory_space<hbm>> -> memref<1x80xi32, #tpu.memory_space<hbm>>
    tpu.enqueue_dma source(%dma_start3A_179 : memref<1x80xi32, #tpu.memory_space<hbm>>) target(%arg8 : memref<1x80xi32, #tpu.memory_space<vmem>>) target_semaphore(%arg21 : memref<!tpu.dma_semaphore, #tpu.memory_space<semaphore_mem>>)
    %dma_start3A_180 = arith.constant 123 : i32
    %dma_start3A_181 = arith.constant 0 : i32
    %dma_start3A_182 = tpu.memref_slice %arg7[%dma_start3A_180, %dma_start3A_181] : memref<125x80xi32, #tpu.memory_space<vmem>> -> memref<1x80xi32, #tpu.memory_space<vmem>>
    %dma_start3A_183 = tpu.memref_squeeze %dma_start3A_182 : memref<1x80xi32, #tpu.memory_space<vmem>> -> memref<80xi32, #tpu.memory_space<vmem>>
    %dma_start3A_184 = arith.constant 0 : i32
    %dma_start3A_185 = arith.constant 0 : i32
    %dma_start3A_186 = tpu.memref_slice %arg14[%dma_start3A_184, %dma_start3A_185] : memref<10000x128xf32, #tpu.memory_space<vmem_shared>> -> memref<10000x128xf32, #tpu.memory_space<vmem_shared>>
    tpu.enqueue_indirect_dma source(%dma_start3A_186 : memref<10000x128xf32, #tpu.memory_space<vmem_shared>>) target(%arg11 : memref<80x128xf32, #tpu.memory_space<vmem>>) offsets(%dma_start3A_183 : memref<80xi32, #tpu.memory_space<vmem>>) semaphore(%arg15 : memref<!tpu.dma_semaphore, #tpu.memory_space<semaphore_mem>>)
    %dma_wait3A_187 = arith.constant 0 : i32
    %dma_wait3A_188 = arith.constant 0 : i32
    %dma_wait3A_189 = tpu.memref_slice %arg9[%dma_wait3A_187, %dma_wait3A_188] : memref<1x80xi32, #tpu.memory_space<vmem>> -> memref<1x80xi32, #tpu.memory_space<vmem>>
    %dma_wait3A_190 = tpu.memref_squeeze %dma_wait3A_189 : memref<1x80xi32, #tpu.memory_space<vmem>> -> memref<80xi32, #tpu.memory_space<vmem>>
    %dma_wait3A_191 = arith.constant 0 : i32
    %dma_wait3A_192 = arith.constant 0 : i32
    %dma_wait3A_193 = tpu.memref_slice %arg3[%dma_wait3A_191, %dma_wait3A_192] : memref<10000x128xf32, #tpu.memory_space<hbm>> -> memref<10000x128xf32, #tpu.memory_space<hbm>>
    tpu.wait_indirect_dma semaphore(%arg16 : memref<!tpu.dma_semaphore, #tpu.memory_space<semaphore_mem>>) src(%dma_wait3A_193 : memref<10000x128xf32, #tpu.memory_space<hbm>>) dst(%arg12 : memref<80x128xf32, #tpu.memory_space<vmem>>)
    %add3A_194 = arith.constant 9680 : i32
    %add3A_195 = arith.addi %mul3A_2, %add3A_194 : i32
    %dma_start3A_196 = arith.constant 0 : i32
    %dma_start3A_197 = tpu.memref_slice %arg6[%add3A_195, %dma_start3A_196] : memref<320000x128xf32, #tpu.memory_space<hbm>> -> memref<80x128xf32, #tpu.memory_space<hbm>>
    %dma_start3A_198 = arith.constant 0 : i32
    %dma_start3A_199 = tpu.memref_slice %arg6[%add3A_195, %dma_start3A_198] : memref<320000x128xf32, #tpu.memory_space<hbm>> -> memref<80x128xf32, #tpu.memory_space<hbm>>
    tpu.enqueue_dma source(%arg12 : memref<80x128xf32, #tpu.memory_space<vmem>>) target(%dma_start3A_199 : memref<80x128xf32, #tpu.memory_space<hbm>>) target_semaphore(%arg19 : memref<!tpu.dma_semaphore, #tpu.memory_space<semaphore_mem>>)
    %mul3A_200 = arith.constant 125 : i32
    %mul3A_201 = arith.muli %add3A, %mul3A_200 : i32
    %add3A_202 = arith.constant 123 : i32
    %add3A_203 = arith.addi %mul3A_201, %add3A_202 : i32
    %dma_wait3A_204 = arith.constant 0 : i32
    %dma_wait3A_205 = arith.constant 0 : i32
    %dma_wait3A_206 = tpu.memref_slice %arg5[%add3A_203, %dma_wait3A_204, %dma_wait3A_205] : memref<4000x1x80xi32, #tpu.memory_space<hbm>> -> memref<1x1x80xi32, #tpu.memory_space<hbm>>
    %dma_wait3A_207 = tpu.memref_squeeze %dma_wait3A_206 : memref<1x1x80xi32, #tpu.memory_space<hbm>> -> memref<1x80xi32, #tpu.memory_space<hbm>>
    %dma_wait3A_208 = arith.constant 0 : i32
    %dma_wait3A_209 = arith.constant 0 : i32
    %dma_wait3A_210 = tpu.memref_slice %arg5[%add3A_203, %dma_wait3A_208, %dma_wait3A_209] : memref<4000x1x80xi32, #tpu.memory_space<hbm>> -> memref<1x1x80xi32, #tpu.memory_space<hbm>>
    %dma_wait3A_211 = tpu.memref_squeeze %dma_wait3A_210 : memref<1x1x80xi32, #tpu.memory_space<hbm>> -> memref<1x80xi32, #tpu.memory_space<hbm>>
    tpu.wait_dma2 semaphore(%arg21 : memref<!tpu.dma_semaphore, #tpu.memory_space<semaphore_mem>>) src(%dma_wait3A_211 : memref<1x80xi32, #tpu.memory_space<hbm>>) dst(%arg8 : memref<1x80xi32, #tpu.memory_space<vmem>>)
    %dma_wait3A_212 = arith.constant 123 : i32
    %dma_wait3A_213 = arith.constant 0 : i32
    %dma_wait3A_214 = tpu.memref_slice %arg7[%dma_wait3A_212, %dma_wait3A_213] : memref<125x80xi32, #tpu.memory_space<vmem>> -> memref<1x80xi32, #tpu.memory_space<vmem>>
    %dma_wait3A_215 = tpu.memref_squeeze %dma_wait3A_214 : memref<1x80xi32, #tpu.memory_space<vmem>> -> memref<80xi32, #tpu.memory_space<vmem>>
    %dma_wait3A_216 = arith.constant 0 : i32
    %dma_wait3A_217 = arith.constant 0 : i32
    %dma_wait3A_218 = tpu.memref_slice %arg14[%dma_wait3A_216, %dma_wait3A_217] : memref<10000x128xf32, #tpu.memory_space<vmem_shared>> -> memref<10000x128xf32, #tpu.memory_space<vmem_shared>>
    tpu.wait_indirect_dma semaphore(%arg15 : memref<!tpu.dma_semaphore, #tpu.memory_space<semaphore_mem>>) src(%dma_wait3A_218 : memref<10000x128xf32, #tpu.memory_space<vmem_shared>>) dst(%arg11 : memref<80x128xf32, #tpu.memory_space<vmem>>)
    %dma_start3A_219 = arith.constant 0 : i32
    %dma_start3A_220 = arith.constant 0 : i32
    %dma_start3A_221 = tpu.memref_slice %arg8[%dma_start3A_219, %dma_start3A_220] : memref<1x80xi32, #tpu.memory_space<vmem>> -> memref<1x80xi32, #tpu.memory_space<vmem>>
    %dma_start3A_222 = tpu.memref_squeeze %dma_start3A_221 : memref<1x80xi32, #tpu.memory_space<vmem>> -> memref<80xi32, #tpu.memory_space<vmem>>
    %dma_start3A_223 = arith.constant 0 : i32
    %dma_start3A_224 = arith.constant 0 : i32
    %dma_start3A_225 = tpu.memref_slice %arg3[%dma_start3A_223, %dma_start3A_224] : memref<10000x128xf32, #tpu.memory_space<hbm>> -> memref<10000x128xf32, #tpu.memory_space<hbm>>
    tpu.enqueue_indirect_dma source(%dma_start3A_225 : memref<10000x128xf32, #tpu.memory_space<hbm>>) target(%arg11 : memref<80x128xf32, #tpu.memory_space<vmem>>) offsets(%dma_start3A_222 : memref<80xi32, #tpu.memory_space<vmem>>) semaphore(%arg15 : memref<!tpu.dma_semaphore, #tpu.memory_space<semaphore_mem>>) {add = true}
    %add3A_226 = arith.constant 9680 : i32
    %add3A_227 = arith.addi %mul3A_2, %add3A_226 : i32
    %dma_wait3A_228 = arith.constant 0 : i32
    %dma_wait3A_229 = tpu.memref_slice %arg6[%add3A_227, %dma_wait3A_228] : memref<320000x128xf32, #tpu.memory_space<hbm>> -> memref<80x128xf32, #tpu.memory_space<hbm>>
    %dma_wait3A_230 = arith.constant 0 : i32
    %dma_wait3A_231 = tpu.memref_slice %arg6[%add3A_227, %dma_wait3A_230] : memref<320000x128xf32, #tpu.memory_space<hbm>> -> memref<80x128xf32, #tpu.memory_space<hbm>>
    tpu.wait_dma2 semaphore(%arg19 : memref<!tpu.dma_semaphore, #tpu.memory_space<semaphore_mem>>) src(%arg12 : memref<80x128xf32, #tpu.memory_space<vmem>>) dst(%dma_wait3A_231 : memref<80x128xf32, #tpu.memory_space<hbm>>)
    %mul3A_232 = arith.constant 125 : i32
    %mul3A_233 = arith.muli %add3A, %mul3A_232 : i32
    %add3A_234 = arith.constant 124 : i32
    %add3A_235 = arith.addi %mul3A_233, %add3A_234 : i32
    %dma_start3A_236 = arith.constant 0 : i32
    %dma_start3A_237 = arith.constant 0 : i32
    %dma_start3A_238 = tpu.memref_slice %arg5[%add3A_235, %dma_start3A_236, %dma_start3A_237] : memref<4000x1x80xi32, #tpu.memory_space<hbm>> -> memref<1x1x80xi32, #tpu.memory_space<hbm>>
    %dma_start3A_239 = tpu.memref_squeeze %dma_start3A_238 : memref<1x1x80xi32, #tpu.memory_space<hbm>> -> memref<1x80xi32, #tpu.memory_space<hbm>>
    %dma_start3A_240 = arith.constant 0 : i32
    %dma_start3A_241 = arith.constant 0 : i32
    %dma_start3A_242 = tpu.memref_slice %arg5[%add3A_235, %dma_start3A_240, %dma_start3A_241] : memref<4000x1x80xi32, #tpu.memory_space<hbm>> -> memref<1x1x80xi32, #tpu.memory_space<hbm>>
    %dma_start3A_243 = tpu.memref_squeeze %dma_start3A_242 : memref<1x1x80xi32, #tpu.memory_space<hbm>> -> memref<1x80xi32, #tpu.memory_space<hbm>>
    tpu.enqueue_dma source(%dma_start3A_243 : memref<1x80xi32, #tpu.memory_space<hbm>>) target(%arg9 : memref<1x80xi32, #tpu.memory_space<vmem>>) target_semaphore(%arg22 : memref<!tpu.dma_semaphore, #tpu.memory_space<semaphore_mem>>)
    %dma_start3A_244 = arith.constant 124 : i32
    %dma_start3A_245 = arith.constant 0 : i32
    %dma_start3A_246 = tpu.memref_slice %arg7[%dma_start3A_244, %dma_start3A_245] : memref<125x80xi32, #tpu.memory_space<vmem>> -> memref<1x80xi32, #tpu.memory_space<vmem>>
    %dma_start3A_247 = tpu.memref_squeeze %dma_start3A_246 : memref<1x80xi32, #tpu.memory_space<vmem>> -> memref<80xi32, #tpu.memory_space<vmem>>
    %dma_start3A_248 = arith.constant 0 : i32
    %dma_start3A_249 = arith.constant 0 : i32
    %dma_start3A_250 = tpu.memref_slice %arg14[%dma_start3A_248, %dma_start3A_249] : memref<10000x128xf32, #tpu.memory_space<vmem_shared>> -> memref<10000x128xf32, #tpu.memory_space<vmem_shared>>
    tpu.enqueue_indirect_dma source(%dma_start3A_250 : memref<10000x128xf32, #tpu.memory_space<vmem_shared>>) target(%arg12 : memref<80x128xf32, #tpu.memory_space<vmem>>) offsets(%dma_start3A_247 : memref<80xi32, #tpu.memory_space<vmem>>) semaphore(%arg16 : memref<!tpu.dma_semaphore, #tpu.memory_space<semaphore_mem>>)
    %dma_wait3A_251 = arith.constant 0 : i32
    %dma_wait3A_252 = arith.constant 0 : i32
    %dma_wait3A_253 = tpu.memref_slice %arg10[%dma_wait3A_251, %dma_wait3A_252] : memref<1x80xi32, #tpu.memory_space<vmem>> -> memref<1x80xi32, #tpu.memory_space<vmem>>
    %dma_wait3A_254 = tpu.memref_squeeze %dma_wait3A_253 : memref<1x80xi32, #tpu.memory_space<vmem>> -> memref<80xi32, #tpu.memory_space<vmem>>
    %dma_wait3A_255 = arith.constant 0 : i32
    %dma_wait3A_256 = arith.constant 0 : i32
    %dma_wait3A_257 = tpu.memref_slice %arg3[%dma_wait3A_255, %dma_wait3A_256] : memref<10000x128xf32, #tpu.memory_space<hbm>> -> memref<10000x128xf32, #tpu.memory_space<hbm>>
    tpu.wait_indirect_dma semaphore(%arg17 : memref<!tpu.dma_semaphore, #tpu.memory_space<semaphore_mem>>) src(%dma_wait3A_257 : memref<10000x128xf32, #tpu.memory_space<hbm>>) dst(%arg13 : memref<80x128xf32, #tpu.memory_space<vmem>>)
    %add3A_258 = arith.constant 9760 : i32
    %add3A_259 = arith.addi %mul3A_2, %add3A_258 : i32
    %dma_start3A_260 = arith.constant 0 : i32
    %dma_start3A_261 = tpu.memref_slice %arg6[%add3A_259, %dma_start3A_260] : memref<320000x128xf32, #tpu.memory_space<hbm>> -> memref<80x128xf32, #tpu.memory_space<hbm>>
    %dma_start3A_262 = arith.constant 0 : i32
    %dma_start3A_263 = tpu.memref_slice %arg6[%add3A_259, %dma_start3A_262] : memref<320000x128xf32, #tpu.memory_space<hbm>> -> memref<80x128xf32, #tpu.memory_space<hbm>>
    tpu.enqueue_dma source(%arg13 : memref<80x128xf32, #tpu.memory_space<vmem>>) target(%dma_start3A_263 : memref<80x128xf32, #tpu.memory_space<hbm>>) target_semaphore(%arg20 : memref<!tpu.dma_semaphore, #tpu.memory_space<semaphore_mem>>)
    %mul3A_264 = arith.constant 125 : i32
    %mul3A_265 = arith.muli %add3A, %mul3A_264 : i32
    %add3A_266 = arith.constant 124 : i32
    %add3A_267 = arith.addi %mul3A_265, %add3A_266 : i32
    %dma_wait3A_268 = arith.constant 0 : i32
    %dma_wait3A_269 = arith.constant 0 : i32
    %dma_wait3A_270 = tpu.memref_slice %arg5[%add3A_267, %dma_wait3A_268, %dma_wait3A_269] : memref<4000x1x80xi32, #tpu.memory_space<hbm>> -> memref<1x1x80xi32, #tpu.memory_space<hbm>>
    %dma_wait3A_271 = tpu.memref_squeeze %dma_wait3A_270 : memref<1x1x80xi32, #tpu.memory_space<hbm>> -> memref<1x80xi32, #tpu.memory_space<hbm>>
    %dma_wait3A_272 = arith.constant 0 : i32
    %dma_wait3A_273 = arith.constant 0 : i32
    %dma_wait3A_274 = tpu.memref_slice %arg5[%add3A_267, %dma_wait3A_272, %dma_wait3A_273] : memref<4000x1x80xi32, #tpu.memory_space<hbm>> -> memref<1x1x80xi32, #tpu.memory_space<hbm>>
    %dma_wait3A_275 = tpu.memref_squeeze %dma_wait3A_274 : memref<1x1x80xi32, #tpu.memory_space<hbm>> -> memref<1x80xi32, #tpu.memory_space<hbm>>
    tpu.wait_dma2 semaphore(%arg22 : memref<!tpu.dma_semaphore, #tpu.memory_space<semaphore_mem>>) src(%dma_wait3A_275 : memref<1x80xi32, #tpu.memory_space<hbm>>) dst(%arg9 : memref<1x80xi32, #tpu.memory_space<vmem>>)
    %dma_wait3A_276 = arith.constant 124 : i32
    %dma_wait3A_277 = arith.constant 0 : i32
    %dma_wait3A_278 = tpu.memref_slice %arg7[%dma_wait3A_276, %dma_wait3A_277] : memref<125x80xi32, #tpu.memory_space<vmem>> -> memref<1x80xi32, #tpu.memory_space<vmem>>
    %dma_wait3A_279 = tpu.memref_squeeze %dma_wait3A_278 : memref<1x80xi32, #tpu.memory_space<vmem>> -> memref<80xi32, #tpu.memory_space<vmem>>
    %dma_wait3A_280 = arith.constant 0 : i32
    %dma_wait3A_281 = arith.constant 0 : i32
    %dma_wait3A_282 = tpu.memref_slice %arg14[%dma_wait3A_280, %dma_wait3A_281] : memref<10000x128xf32, #tpu.memory_space<vmem_shared>> -> memref<10000x128xf32, #tpu.memory_space<vmem_shared>>
    tpu.wait_indirect_dma semaphore(%arg16 : memref<!tpu.dma_semaphore, #tpu.memory_space<semaphore_mem>>) src(%dma_wait3A_282 : memref<10000x128xf32, #tpu.memory_space<vmem_shared>>) dst(%arg12 : memref<80x128xf32, #tpu.memory_space<vmem>>)
    %dma_start3A_283 = arith.constant 0 : i32
    %dma_start3A_284 = arith.constant 0 : i32
    %dma_start3A_285 = tpu.memref_slice %arg9[%dma_start3A_283, %dma_start3A_284] : memref<1x80xi32, #tpu.memory_space<vmem>> -> memref<1x80xi32, #tpu.memory_space<vmem>>
    %dma_start3A_286 = tpu.memref_squeeze %dma_start3A_285 : memref<1x80xi32, #tpu.memory_space<vmem>> -> memref<80xi32, #tpu.memory_space<vmem>>
    %dma_start3A_287 = arith.constant 0 : i32
    %dma_start3A_288 = arith.constant 0 : i32
    %dma_start3A_289 = tpu.memref_slice %arg3[%dma_start3A_287, %dma_start3A_288] : memref<10000x128xf32, #tpu.memory_space<hbm>> -> memref<10000x128xf32, #tpu.memory_space<hbm>>
    tpu.enqueue_indirect_dma source(%dma_start3A_289 : memref<10000x128xf32, #tpu.memory_space<hbm>>) target(%arg12 : memref<80x128xf32, #tpu.memory_space<vmem>>) offsets(%dma_start3A_286 : memref<80xi32, #tpu.memory_space<vmem>>) semaphore(%arg16 : memref<!tpu.dma_semaphore, #tpu.memory_space<semaphore_mem>>) {add = true}
    %dma_wait3A_290 = arith.constant 0 : i32
    %dma_wait3A_291 = arith.constant 0 : i32
    %dma_wait3A_292 = tpu.memref_slice %arg8[%dma_wait3A_290, %dma_wait3A_291] : memref<1x80xi32, #tpu.memory_space<vmem>> -> memref<1x80xi32, #tpu.memory_space<vmem>>
    %dma_wait3A_293 = tpu.memref_squeeze %dma_wait3A_292 : memref<1x80xi32, #tpu.memory_space<vmem>> -> memref<80xi32, #tpu.memory_space<vmem>>
    %dma_wait3A_294 = arith.constant 0 : i32
    %dma_wait3A_295 = arith.constant 0 : i32
    %dma_wait3A_296 = tpu.memref_slice %arg3[%dma_wait3A_294, %dma_wait3A_295] : memref<10000x128xf32, #tpu.memory_space<hbm>> -> memref<10000x128xf32, #tpu.memory_space<hbm>>
    tpu.wait_indirect_dma semaphore(%arg15 : memref<!tpu.dma_semaphore, #tpu.memory_space<semaphore_mem>>) src(%dma_wait3A_296 : memref<10000x128xf32, #tpu.memory_space<hbm>>) dst(%arg11 : memref<80x128xf32, #tpu.memory_space<vmem>>)
    %add3A_297 = arith.constant 9840 : i32
    %add3A_298 = arith.addi %mul3A_2, %add3A_297 : i32
    %dma_start3A_299 = arith.constant 0 : i32
    %dma_start3A_300 = tpu.memref_slice %arg6[%add3A_298, %dma_start3A_299] : memref<320000x128xf32, #tpu.memory_space<hbm>> -> memref<80x128xf32, #tpu.memory_space<hbm>>
    %dma_start3A_301 = arith.constant 0 : i32
    %dma_start3A_302 = tpu.memref_slice %arg6[%add3A_298, %dma_start3A_301] : memref<320000x128xf32, #tpu.memory_space<hbm>> -> memref<80x128xf32, #tpu.memory_space<hbm>>
    tpu.enqueue_dma source(%arg11 : memref<80x128xf32, #tpu.memory_space<vmem>>) target(%dma_start3A_302 : memref<80x128xf32, #tpu.memory_space<hbm>>) target_semaphore(%arg18 : memref<!tpu.dma_semaphore, #tpu.memory_space<semaphore_mem>>)
    %add3A_303 = arith.constant 9760 : i32
    %add3A_304 = arith.addi %mul3A_2, %add3A_303 : i32
    %dma_wait3A_305 = arith.constant 0 : i32
    %dma_wait3A_306 = tpu.memref_slice %arg6[%add3A_304, %dma_wait3A_305] : memref<320000x128xf32, #tpu.memory_space<hbm>> -> memref<80x128xf32, #tpu.memory_space<hbm>>
    %dma_wait3A_307 = arith.constant 0 : i32
    %dma_wait3A_308 = tpu.memref_slice %arg6[%add3A_304, %dma_wait3A_307] : memref<320000x128xf32, #tpu.memory_space<hbm>> -> memref<80x128xf32, #tpu.memory_space<hbm>>
    tpu.wait_dma2 semaphore(%arg20 : memref<!tpu.dma_semaphore, #tpu.memory_space<semaphore_mem>>) src(%arg13 : memref<80x128xf32, #tpu.memory_space<vmem>>) dst(%dma_wait3A_308 : memref<80x128xf32, #tpu.memory_space<hbm>>)
    %dma_wait3A_309 = arith.constant 0 : i32
    %dma_wait3A_310 = arith.constant 0 : i32
    %dma_wait3A_311 = tpu.memref_slice %arg9[%dma_wait3A_309, %dma_wait3A_310] : memref<1x80xi32, #tpu.memory_space<vmem>> -> memref<1x80xi32, #tpu.memory_space<vmem>>
    %dma_wait3A_312 = tpu.memref_squeeze %dma_wait3A_311 : memref<1x80xi32, #tpu.memory_space<vmem>> -> memref<80xi32, #tpu.memory_space<vmem>>
    %dma_wait3A_313 = arith.constant 0 : i32
    %dma_wait3A_314 = arith.constant 0 : i32
    %dma_wait3A_315 = tpu.memref_slice %arg3[%dma_wait3A_313, %dma_wait3A_314] : memref<10000x128xf32, #tpu.memory_space<hbm>> -> memref<10000x128xf32, #tpu.memory_space<hbm>>
    tpu.wait_indirect_dma semaphore(%arg16 : memref<!tpu.dma_semaphore, #tpu.memory_space<semaphore_mem>>) src(%dma_wait3A_315 : memref<10000x128xf32, #tpu.memory_space<hbm>>) dst(%arg12 : memref<80x128xf32, #tpu.memory_space<vmem>>)
    %add3A_316 = arith.constant 9920 : i32
    %add3A_317 = arith.addi %mul3A_2, %add3A_316 : i32
    %dma_start3A_318 = arith.constant 0 : i32
    %dma_start3A_319 = tpu.memref_slice %arg6[%add3A_317, %dma_start3A_318] : memref<320000x128xf32, #tpu.memory_space<hbm>> -> memref<80x128xf32, #tpu.memory_space<hbm>>
    %dma_start3A_320 = arith.constant 0 : i32
    %dma_start3A_321 = tpu.memref_slice %arg6[%add3A_317, %dma_start3A_320] : memref<320000x128xf32, #tpu.memory_space<hbm>> -> memref<80x128xf32, #tpu.memory_space<hbm>>
    tpu.enqueue_dma source(%arg12 : memref<80x128xf32, #tpu.memory_space<vmem>>) target(%dma_start3A_321 : memref<80x128xf32, #tpu.memory_space<hbm>>) target_semaphore(%arg19 : memref<!tpu.dma_semaphore, #tpu.memory_space<semaphore_mem>>)
    %add3A_322 = arith.constant 9840 : i32
    %add3A_323 = arith.addi %mul3A_2, %add3A_322 : i32
    %dma_wait3A_324 = arith.constant 0 : i32
    %dma_wait3A_325 = tpu.memref_slice %arg6[%add3A_323, %dma_wait3A_324] : memref<320000x128xf32, #tpu.memory_space<hbm>> -> memref<80x128xf32, #tpu.memory_space<hbm>>
    %dma_wait3A_326 = arith.constant 0 : i32
    %dma_wait3A_327 = tpu.memref_slice %arg6[%add3A_323, %dma_wait3A_326] : memref<320000x128xf32, #tpu.memory_space<hbm>> -> memref<80x128xf32, #tpu.memory_space<hbm>>
    tpu.wait_dma2 semaphore(%arg18 : memref<!tpu.dma_semaphore, #tpu.memory_space<semaphore_mem>>) src(%arg11 : memref<80x128xf32, #tpu.memory_space<vmem>>) dst(%dma_wait3A_327 : memref<80x128xf32, #tpu.memory_space<hbm>>)
    %add3A_328 = arith.constant 9920 : i32
    %add3A_329 = arith.addi %mul3A_2, %add3A_328 : i32
    %dma_wait3A_330 = arith.constant 0 : i32
    %dma_wait3A_331 = tpu.memref_slice %arg6[%add3A_329, %dma_wait3A_330] : memref<320000x128xf32, #tpu.memory_space<hbm>> -> memref<80x128xf32, #tpu.memory_space<hbm>>
    %dma_wait3A_332 = arith.constant 0 : i32
    %dma_wait3A_333 = tpu.memref_slice %arg6[%add3A_329, %dma_wait3A_332] : memref<320000x128xf32, #tpu.memory_space<hbm>> -> memref<80x128xf32, #tpu.memory_space<hbm>>
    tpu.wait_dma2 semaphore(%arg19 : memref<!tpu.dma_semaphore, #tpu.memory_space<semaphore_mem>>) src(%arg12 : memref<80x128xf32, #tpu.memory_space<vmem>>) dst(%dma_wait3A_333 : memref<80x128xf32, #tpu.memory_space<hbm>>)
    return
  }
}

</mosaic_0001>

<sc_bundles>
// kernel: _sc_gather_sub.3.cloned.1.call-start
scs
__scs_entry_jumppad:
0x0: {  	(pc) =	sbr.rel $0x88, $3  }
0x1: {  	(tag) =	ssettag $0x0;
	lr =	simm.s32 $0x1  }
0x2: {  	[smem:$0x3F9D] =	sst lr;
	_ =	strace $0xD0000000  }
0x3: {  	_ = 	snop  }
0x4: {  	_ = 	snop  }
0x5: {  	_ = 	snop  }
0x6: {  	_ = 	snop  }
0x7: {  	_ = 	snop  }
__scs_overlays_trampoline_lowered:
0x8: {  	[smem:$0x3FAC] =	sst s0  }
0x9: {  	[smem:$0x3FAD] =	sst s1  }
0xa: {  	[smem:$0x3FAE] =	sst s2  }
0xb: {  	[smem:$0x3FAF] =	sst s3  }
0xc: {  	[smem:$0x3FB0] =	sst s4  }
0xd: {  	[smem:$0x3FB1] =	sst s5  }
0xe: {  	[smem:$0x3FB2] =	sst s6  }
0xf: {  	[smem:$0x3FB3] =	sst s7  }
0x10: {  	[smem:$0x3FB4] =	sst s8  }
0x11: {  	[smem:$0x3FB5] =	sst s9;
	s0 =	simm.s32 @!p0 $0x0  }
0x12: {  	s1 =	sld [smem:$0x3F9B];
	s0 =	simm.s32 @p0 $0x1  }
0x13: {  	[smem:$0x3FB6] =	sst s0;
	s0 =	simm.s32 @!p1 $0x0  }
0x14: {  	s2 =	sld [smem:$0x3F9A];
	s0 =	simm.s32 @p1 $0x1  }
0x15: {  	[smem:$0x3FB7] =	sst s0;
	s0 =	simm.s32 @!p2 $0x0  }
0x16: {  	s3 =	sld [smem:$0x3FDB];
	s0 =	simm.s32 @p2 $0x1  }
0x17: {  	s4 =	simm.s32 $0x1BF5;
	[smem:$0x3FB9] =	sst s0  }
0x18: {  	s0 =	sld [smem:$0x3F9C];
	_ =	swait.ge [sflag:s4], $0x0  }
0x19: {  	s7 =	sld [smem:$0x3F9D]  }
0x1a: {  	s8 =	sadd.s32 $0xFFFFE003, lr  }
0x1b: {  	s9 =	sadd.s32 $0xFFFFFEF7, lr;
	s5 =	simm.s32 $0xFFFFFFFF;
	p2 =	slt.u32 s8, $0xFFFFF086  }
0x1c: {  	p1 =	slt.u32 s9, $0xF7A;
	s5 =	simm.s32 @!p2 $0x0  }
0x1d: {  	s5 =	simm.s32 @p1 $0x1;
	p0 =	seq.s32 s7, s2  }
0x1e: {  	s7 =	smul.u32 @!p0 $0xF7A, s2;
	p2 =	seq.s32 @!p0 s5, $0x0  }
0x1f: {  	s9 =	smul.u32 $0xF7A, s1;
	s8 =	simm.s32 @!p0 $0x1BF5;
	p2 =	por !p2, p0  }
0x20: {  	[sflag:s8] =	ssyncset.s32 @!p0 $0xFFFFF086;
	s6 =	sadd.s32 @!p0 s3, s7;
	s7 =	simm.s32 @!p0 $0x108  }
0x21: {  	s3 =	sadd.s32 s3, s9;
	s6 =	sadd.s32 @!p0 $0x88, s6;
	s7 =	simm.s32 @p2 $0x1082  }
0x22: {  	[simem:s7], [sflag:s8] =	dma.local @!p0 [hbm:s6], $0xF7A  }
0x23: {  	s9 =	sor.u32 $0xD0000000, s2;
	s6 =	simm.s32 $0x108;
	_ =	swait.ge @!p0 [sflag:s8], $0x0  }
0x24: {  	s3 =	sadd.s32 $0x88, s3;
	s6 =	simm.s32 @!p1 $0x1082;
	[sflag:s4] =	ssyncset.s32 $0xFFFFF086  }
0x25: {  	[simem:s6], [sflag:s4] =	dma.local [hbm:s3], $0xF7A  }
0x26: {  	[smem:$0x3F9D] =	sst s1;
	(tag) =	ssettag s2;
	_ =	strace s9  }
0x27: {  	s1 =	sld [smem:$0x3FAD]  }
0x28: {  	s2 =	sld [smem:$0x3FAE]  }
0x29: {  	s4 =	sld [smem:$0x3FB0]  }
0x2a: {  	p0 =	seq.s32 s5, $0x0;
	s5 =	sld [smem:$0x3FB1]  }
0x2b: {  	s6 =	sld [smem:$0x3FB2]  }
0x2c: {  	s7 =	sld [smem:$0x3FB3]  }
0x2d: {  	s3 =	simm.s32 $0x108;
	s8 =	sld [smem:$0x3FB4]  }
0x2e: {  	s3 =	simm.s32 @!p0 $0x1082;
	s9 =	sld [smem:$0x3FB5]  }
0x2f: {  	lr =	sadd.s32 s0, s3;
	s0 =	sld [smem:$0x3FAC]  }
0x30: {  	s3 =	sld [smem:$0x3FAF]  }
0x31: {  	[smem:$0x3FB8] =	sst s10  }
0x32: {  	s10 =	sld [smem:$0x3FB6];
	_ =	sdelay $0x3  }
0x33: {  	p0 =	seq.s32 s10, $0x1;
	s10 =	sld [smem:$0x3FB8];
	_ =	sdelay $0x3  }
0x34: {  	[smem:$0x3FB8] =	sst s10  }
0x35: {  	s10 =	sld [smem:$0x3FB7];
	_ =	sdelay $0x3  }
0x36: {  	p1 =	seq.s32 s10, $0x1;
	s10 =	sld [smem:$0x3FB8];
	_ =	sdelay $0x3  }
0x37: {  	[smem:$0x3FB8] =	sst s10  }
0x38: {  	s10 =	sld [smem:$0x3FB9]  }
0x39: {  	_ = 	snop;
	(pc) =	sbr.ind lr, $3  }
0x3a: {  	_ = 	snop  }
0x3b: {  	_ = 	snop  }
0x3c: {  	p2 =	seq.s32 s10, $0x1;
	s10 =	sld [smem:$0x3FB8]  }
0x3d: {  	_ =	shalt  }
0x3e: {  	_ =	shalt  }
0x3f: {  	_ =	shalt  }
0x40: {  	_ =	shalt  }
0x41: {  	_ =	shalt  }
0x42: {  	_ =	shalt  }
0x43: {  	_ =	shalt  }
0x44: {  	_ =	shalt  }
0x45: {  	_ =	shalt  }
0x46: {  	_ =	shalt  }
0x47: {  	_ =	shalt  }
0x48: {  	_ =	shalt  }
0x49: {  	_ =	shalt  }
0x4a: {  	_ =	shalt  }
0x4b: {  	_ =	shalt  }
0x4c: {  	_ =	shalt  }
0x4d: {  	_ =	shalt  }
0x4e: {  	_ =	shalt  }
0x4f: {  	_ =	shalt  }
0x50: {  	_ =	shalt  }
0x51: {  	_ =	shalt  }
0x52: {  	_ =	shalt  }
0x53: {  	_ =	shalt  }
0x54: {  	_ =	shalt  }
0x55: {  	_ =	shalt  }
0x56: {  	_ =	shalt  }
0x57: {  	_ =	shalt  }
0x58: {  	_ =	shalt  }
0x59: {  	_ =	shalt  }
0x5a: {  	_ =	shalt  }
0x5b: {  	_ =	shalt  }
0x5c: {  	_ =	shalt  }
0x5d: {  	_ =	shalt  }
0x5e: {  	_ =	shalt  }
0x5f: {  	_ =	shalt  }
0x60: {  	_ =	shalt  }
0x61: {  	_ =	shalt  }
0x62: {  	_ =	shalt  }
0x63: {  	_ =	shalt  }
0x64: {  	_ =	shalt  }
0x65: {  	_ =	shalt  }
0x66: {  	_ =	shalt  }
0x67: {  	_ =	shalt  }
0x68: {  	_ =	shalt  }
0x69: {  	_ =	shalt  }
0x6a: {  	_ =	shalt  }
0x6b: {  	_ =	shalt  }
0x6c: {  	_ =	shalt  }
0x6d: {  	_ =	shalt  }
0x6e: {  	_ =	shalt  }
0x6f: {  	_ =	shalt  }
0x70: {  	_ =	shalt  }
0x71: {  	_ =	shalt  }
0x72: {  	_ =	shalt  }
0x73: {  	_ =	shalt  }
0x74: {  	_ =	shalt  }
0x75: {  	_ =	shalt  }
0x76: {  	_ =	shalt  }
0x77: {  	_ =	shalt  }
0x78: {  	_ =	shalt  }
0x79: {  	_ =	shalt  }
0x7a: {  	_ =	shalt  }
0x7b: {  	_ =	shalt  }
0x7c: {  	_ =	shalt  }
0x7d: {  	_ =	shalt  }
0x7e: {  	_ =	shalt  }
0x7f: {  	_ =	shalt  }
0x80: {  	_ =	shalt  }
0x81: {  	_ =	shalt  }
0x82: {  	_ =	shalt  }
0x83: {  	_ =	shalt  }
0x84: {  	_ =	shalt  }
0x85: {  	_ =	shalt  }
0x86: {  	_ =	shalt  }
0x87: {  	_ =	shalt  }
.Lfunc_end0:
.L_simem_size_0:
called_computation_lowered:
.L_overlay_start_0:
0x88: {  	s2 =	sld [smem:$0x3FD9]  }
0x89: {  	s3 =	sld [smem:$0x3FFE];
	_ =	sdelay $0x1  }
0x8a: {  	s1 =	srdreg.scid  }
0x8b: {  	s0 =	sand.u32 $0x1, s1  }
0x8c: {  	s17 =	sshll.u32 s0, $0xA;
	s2 =	sadd.s32 s3, s2  }
0x8d: {  	s2 =	sadd.s32 s2, s17  }
0x8e: {  	[smem:$0x3FC4] =	sst s2  }
0x8f: {  	_ = 	snop  }
0x90: {  	s2 =	sld [smem:$0x3FC9]  }
0x91: {  	s18 =	sld [smem:$0x3FC8]  }
0x92: {  	s4 =	sld [smem:$0x3FD0];
	(tm) =	ssettm $0x1  }
0x93: {  	s5 =	sld [smem:$0x3FFB];
	_ =	sdelay $0x3  }
0x94: {  	_ =	strace s5  }
0x95: {  	s5 =	sld [smem:$0x3FFC];
	_ =	sdelay $0x3  }
0x96: {  	_ =	strace s5  }
0x97: {  	s5 =	sld [smem:$0x3FFD];
	_ =	sdelay $0x3  }
0x98: {  	_ =	strace s5  }
0x99: {  	_ =	strace $0x8FFFFFFF  }
0x9a: {  	s19 =	sld [smem:$0x3FDB];
	_ =	sdelay $0x1  }
0x9b: {  	s6 =	simm.s32 $_scs_section_size  }
0x9c: {  	s7 =	simm.s32 $_size__tile_overlayer_lowered;
	s8 =	simm.s32 $_tile_overlayer_lowered  }
0x9d: {  	s22 =	simm.s32 $0x1BFF;
	s21 =	sshll.u32 s8, $0x1;
	s5 =	sadd.s32 s6, s19  }
0x9e: {  	s9 =	simm.s32 $0x0;
	s20 =	sshll.u32 s7, $0x1;
	s7 =	sadd.s32 s21, s5  }
0x9f: {  	[timem:s9], [sflag:s22] =	dma.local [hbm:s7], s20  }
0xa0: {  	_ =	swait.ge [sflag:s22], s20  }
0xa1: {  	s6 =	ssub.s32 $0x0, s20;
	[sflag:s22] =	ssyncset.done $0x0  }
0xa2: {  	[sflag:s22] =	ssyncadd.s32 s6;
	_ =	sdelay $0x1  }
0xa3: {  	s23 =	simm.s32 $0x1B8B  }
0xa4: {  	_ =	swait.ge [sflag:s23], $0x1  }
0xa5: {  	[sflag:s23] =	ssyncset.done $0x0  }
0xa6: {  	s25 =	simm.s32 $0x1B8E;
	s24 =	sld [smem:$0x3FFE];
	[sflag:s23] =	ssyncadd.s32 $0xFFFFFFFF  }
0xa7: {  	s26 =	simm.s32 $execute0_lowered;
	[smem:$0x3FD2] =	sst s25  }
0xa8: {  	s7 =	sshll.u32 s26, $0x1;
	_ =	strace $0x80000046;
	[dreg:$0x1] =	wrdreg $0xFFFFFFFF  }
0xa9: {  	s28 =	simm.s32 $_size_execute0_lowered;
	s5 =	sadd.s32 s5, s7;
	[dreg:$0x0] =	wrdreg $0x0  }
0xaa: {  	s7 =	sshll.u32 s28, $0x1;
	[dreg:$0x2] =	wrdreg s5  }
0xab: {  	[dreg:$0x3] =	wrdreg s7  }
0xac: {  	[dreg:$0x4] =	wrdreg $0xC0  }
0xad: {  	_ =	task [dreg:s9], $0x5FFFF  }
0xae: {  	[dreg:$0x1] =	wrdreg $0xFFFFFFFF  }
0xaf: {  	[dreg:$0x0] =	wrdreg $0x60  }
0xb0: {  	[dreg:$0x2] =	wrdreg s2  }
0xb1: {  	[dreg:$0x3] =	wrdreg s18  }
0xb2: {  	[dreg:$0x4] =	wrdreg s24  }
0xb3: {  	[dreg:$0x5] =	wrdreg s4  }
0xb4: {  	[dreg:$0x6] =	wrdreg $0xB9800  }
0xb5: {  	[dreg:$0x7] =	wrdreg $0x9  }
0xb6: {  	_ =	task.clear_ibuf [dreg:s9], $0x8FFFF;
	_ =	strace $0x90000046  }
0xb7: {  	s29 =	simm.s32 $0x9;
	_ =	strace $0x80000048  }
0xb8: {  	_ =	swait.ge [sflag:s29], $0x1  }
0xb9: {  	[sflag:s29] =	ssyncadd.s32 $0xFFFFFFFF  }
0xba: {  	_ =	strace $0x90000048  }
0xbb: {  	_ =	sfence  }
0xbc: {  	s30 =	sld [smem:$0x0];
	_ =	sdelay $0x2  }
0xbd: {  	s31 =	sshll.u32 s1, $0xD;
	s1 =	sshrl.u32 s1, $0x2  }
0xbe: {  	s3 =	sand.u32 $0x4000, s31;
	s1 =	sadd.s32 s1, s30  }
0xbf: {  	s0 =	sor.u32 s3, s0;
	s1 =	sshll.u32 s1, $0x11  }
0xc0: {  	s0 =	sor.u32 s1, s0  }
0xc1: {  	s0 =	sadd.s32 $0x8F2B, s0  }
0xc2: {  	[sflag:s0] =	ssyncadd.remote.s32 $0x1  }
0xc3: {  	_ =	sfence.sel $0xFFFF  }
0xc4: {  	[dreg:$0x0] =	wrdreg $0xFFFFFFFF;
	(pc) =	sbr.abs _section_cstart, $3  }
0xc5: {  	[dreg:$0x1] =	wrdreg $0xFFFFFFFF  }
0xc6: {  	_ =	task.clear_ibuf [dreg:s9], $0x2FFFF;
	_ =	strace $0x9FFFFFFF  }
0xc7: {  	(tm) =	ssettm $0x7FFFFFFF  }
tec
execute0_lowered:
.L_overlay_start_1:
0x0: {  	(tag) =	ssettag $0x1  }
0x1: {  	s0 =	rddreg [dreg:$0x0]  }
0x2: {  	s1 =	rddreg [dreg:$0x1]  }
0x3: {  	s2 =	rddreg [dreg:$0x2]  }
0x4: {  	s5 =	rddreg [dreg:$0x3]  }
0x5: {  	s3 =	rddreg [dreg:$0x4];
	s14 =	stileid.u32  }
0x6: {  	s6 =	srdreg.scid;
	s4 =	simm.s32 $0x0;
	s9 =	smul.u32 $0x4E000, s14  }
0x7: {  	s28 =	simm.s32 $0x4180;
	s29 =	simm.s32 $0x7;
	s12 =	smul.u32 $0x2700, s14  }
0x8: {  	s30 =	simm.s32 $0x1;
	s31 =	simm.s32 $0x4080;
	s18 =	smul.u32 $0xFA, s14  }
0x9: {  	s6 =	sand.u32 $0x1, s6;
	s7 =	sshll.u32 s14, $0x1;
	s22 =	smul.u32 $0x4E200, s14  }
0xa: {  	[smem:$0x7FF] =	sst s4;
	p0 =	seq.s32 s14, $0xF;
	s20 =	smul.u32 $0x7D, s6  }
0xb: {  	s7 =	sor.u32 s6, s7;
	s10 =	ssub.s32 $0x2, s6;
	s6 =	smul.u32 $0x27100, s6  }
0xc: {  	_ =	strace $0x80000047;
	s8 =	sshll.u32 s7, $0xB;
	s24 =	smul.u32 $0x3E80, s7  }
0xd: {  	s11 =	sshrl.u32 s10, $0x1;
	s9 =	sshrl.u32 s9, $0x2;
	s13 =	smul.u32 $0x7D0, s7  }
0xe: {  	s12 =	sadd.s32 s0, s12;
	s0 =	sadd.s32 $0x24900, s0;
	s26 =	smul.u32 $0x27100, s7  }
0xf: {  	s7 =	smul.u32 $0x138800, s7;
	s8 =	sadd.s32 s8, s2;
	s2 =	sadd.s32 $0x600, s2  }
0x10: {  	s10 =	ssub.s32 s10, s11;
	s9 =	sadd.s32 s9, s3;
	[dreg:$0x7] =	wrdreg s12  }
0x11: {  	s12 =	sadd.s32 $0x124800, s3;
	[dreg:$0x8] =	wrdreg s0;
	s8 =	sadd.s32 $0x10000, s8  }
0x12: {  	s11 =	simm.s32 $0x5;
	s13 =	sadd.s32 s2, s13;
	[dreg:$0x9] =	wrdreg s8  }
0x13: {  	s25 =	sshrl.u32 s24, $0x3;
	s16 =	sadd.s32 s5, s26;
	[dreg:$0xa] =	wrdreg s13  }
0x14: {  	s26 =	smax.u32 s10, $0x1;
	s0 =	sadd.s32 s2, s25;
	[dreg:$0xc] =	wrdreg s16  }
0x15: {  	s7 =	sshrl.u32 s7, $0x3;
	[dreg:$0x14] =	wrdreg s26;
	s15 =	sadd.s32 $0x10, s0  }
0x16: {  	s10 =	simm.s32 $0x4;
	s17 =	sadd.s32 $0x20, s0;
	[dreg:$0xb] =	wrdreg s15  }
0x17: {  	s7 =	sadd.s32 s5, s7;
	s19 =	sadd.s32 $0x7B0, s0;
	[dreg:$0xd] =	wrdreg s17  }
0x18: {  	s8 =	sadd.s32 s20, s18;
	s21 =	sadd.s32 $0x25D00, s7;
	[dreg:$0xe] =	wrdreg s19  }
0x19: {  	s26 =	simm.s32 $0x50;
	s0 =	sadd.s32 $0x7C0, s0;
	[dreg:$0xf] =	wrdreg s21  }
0x1a: {  	s13 =	simm.s32 $0x0;
	s23 =	sadd.s32 $0x26200, s7;
	[dreg:$0x10] =	wrdreg s0  }
0x1b: {  	s24 =	sadd.s32 $0x26700, s7;
	s25 =	sshll.u32 s8, $0x4;
	[dreg:$0x11] =	wrdreg s23  }
0x1c: {  	s7 =	sadd.s32 $0x26C00, s7;
	s8 =	simm.s32 $0x9;
	[dreg:$0x12] =	wrdreg s24  }
0x1d: {  	s0 =	sadd.s32 s22, s5;
	[dreg:$0x13] =	wrdreg s7;
	s2 =	sadd.s32 s25, s2  }
0x1e: {  	s24 =	simm.s32 $0xA;
	s25 =	simm.s32 $0x4000;
	s5 =	simm.s32 $0x2  }
0x1f: {  	s7 =	simm.s32 $0x9180;
	s0 =	sadd.s32 s6, s0;
	s19 =	sadd.s32 $0x50, s2  }
0x20: {  	s20 =	sadd.s32 $0x40, s2;
	s21 =	sadd.s32 $0x30, s2;
	s2 =	simm.s32 $0x8  }
0x21: {  	s6 =	simm.s32 $0x4100;
	[dreg:$0x6] =	wrdreg s0;
	s0 =	sshrl.u32 @p0 s12, $0x3  }
0x22: {  	s12 =	simm.s32 $0x6;
	[dreg:$0x15] =	wrdreg s0;
	s0 =	sshrl.u32 @!p0 s9, $0x3  }
0x23: {  	s9 =	simm.s32 $0x3;
	[dreg:$0x16] =	wrdreg s0;
	s0 =	simm.s32 $0x6980  }
.LBB2_1:
0x24: {  	s15 =	rddreg [dreg:$0x8]  }
0x25: {  	s14 =	simm.s32 @p0 $0x1FCA;
	s16 =	rddreg [dreg:$0x15]  }
0x26: {  	[spmem:s16], [sflag:s14] =	dma.local @p0 [hbm:s15], $0x2800  }
0x27: {  	s14 =	simm.s32 @p0 $0xA  }
0x28: {  	s15 =	stileid.u32;
	_ =	swait.ge @p0 [sflag:s14], $0x2800  }
0x29: {  	s15 =	sshll.u32 @!p0 s15, $0x6;
	[sflag:s14] =	ssyncset.done @p0 $0x0;
	s16 =	rddreg [dreg:$0x16]  }
0x2a: {  	[sflag:s14] =	ssyncadd.s32 @p0 $0xFFFFD800;
	s14 =	sor.u32 @!p0 $0x1C0A, s15;
	s15 =	rddreg [dreg:$0x7]  }
0x2b: {  	[spmem:s16], [sflag:s14] =	dma.local @!p0 [hbm:s15], $0x2700  }
0x2c: {  	s14 =	simm.s32 @!p0 $0xA  }
0x2d: {  	_ =	swait.ge @!p0 [sflag:s14], $0x2700  }
0x2e: {  	[sflag:s14] =	ssyncset.done @!p0 $0x0  }
0x2f: {  	s23 =	rddreg [dreg:$0x9];
	[sflag:s14] =	ssyncadd.s32 @!p0 $0xFFFFD900  }
0x30: {  	[tilespmem:s4], [sflag:$0xA] =	stream.linear.gather [hbm4b:s23+s4], $0x3E80, $0x38;
	[tilespmem:$0x1F200] =	vst v63  }
0x31: {  	_ =	swait.ge [sflag:s24], $0x3E80  }
0x32: {  	[sflag:s24] =	ssyncset.done $0x0  }
0x33: {  	[sflag:s24] =	ssyncadd.s32 $0xFFFFC180  }
0x34: {  	[bflag:$0x0] =	sbarrier.arrive $0xFFFF  }
0x35: {  	s15 =	rddreg [dreg:$0xa]  }
0x36: {  	[tilespmem:s25], [sflag:$0x7] =	stream.linear.gather [hbm4b:s15+s4], $0x80, $0x38;
	[tilespmem:$0x1F200] =	vst v63  }
0x37: {  	_ = 	snop  }
0x38: {  	[tilespmem:s28], [sflag:$0x1] =	stream.indirect.gather [spmem:s3], $0x80, s4, s26, $0xb8;
	[tilespmem:$0x1F200] =	vst v63  }
0x39: {  	_ =	swait.ge [sflag:s29], $0x80  }
0x3a: {  	[sflag:s29] =	ssyncset.done $0x0  }
0x3b: {  	[sflag:s29] =	ssyncadd.s32 $0xFFFFFF80  }
0x3c: {  	_ =	swait.ge [sflag:s30], $0x2800  }
0x3d: {  	[sflag:s30] =	ssyncset.done $0x0  }
0x3e: {  	[sflag:s30] =	ssyncadd.s32 $0xFFFFD800  }
0x3f: {  	[tilespmem:s28], [sflag:$0x1] =	stream.indirect.gather.add.f32 [hbm:s1], $0x80, s25, s26, $0xb8;
	[tilespmem:$0x1F200] =	vst v63  }
0x40: {  	s16 =	rddreg [dreg:$0xb]  }
0x41: {  	[tilespmem:s31], [sflag:$0x8] =	stream.linear.gather [hbm4b:s16+s4], $0x80, $0x38;
	[tilespmem:$0x1F200] =	vst v63  }
0x42: {  	s17 =	simm.s32 $0x80  }
0x43: {  	[tilespmem:s0], [sflag:$0x2] =	stream.indirect.gather [spmem:s3], $0x80, s17, s26, $0xb8;
	[tilespmem:$0x1F200] =	vst v63  }
0x44: {  	_ =	swait.ge [sflag:s2], $0x80  }
0x45: {  	[sflag:s2] =	ssyncset.done $0x0  }
0x46: {  	[sflag:s2] =	ssyncadd.s32 $0xFFFFFF80  }
0x47: {  	_ =	swait.ge [sflag:s5], $0x2800  }
0x48: {  	[sflag:s5] =	ssyncset.done $0x0  }
0x49: {  	[sflag:s5] =	ssyncadd.s32 $0xFFFFD800  }
0x4a: {  	[tilespmem:s0], [sflag:$0x2] =	stream.indirect.gather.add.f32 [hbm:s1], $0x80, s31, s26, $0xb8;
	[tilespmem:$0x1F200] =	vst v63  }
0x4b: {  	_ =	swait.ge [sflag:s30], $0x2800  }
0x4c: {  	[sflag:s30] =	ssyncset.done $0x0  }
0x4d: {  	s18 =	rddreg [dreg:$0xc];
	[sflag:s30] =	ssyncadd.s32 $0xFFFFD800  }
0x4e: {  	[hbm4b:s18+s4] =	stream.linear.scatter [tilespmem:s28], [sflag:$0x4], $0x2800, $0x38;
	[tilespmem:$0x1F200] =	vst v63  }
0x4f: {  	s22 =	rddreg [dreg:$0xd]  }
0x50: {  	[tilespmem:s6], [sflag:$0x9] =	stream.linear.gather [hbm4b:s22+s4], $0x80, $0x38;
	[tilespmem:$0x1F200] =	vst v63  }
0x51: {  	s23 =	simm.s32 $0x100  }
0x52: {  	[tilespmem:s7], [sflag:$0x3] =	stream.indirect.gather [spmem:s3], $0x80, s23, s26, $0xb8;
	[tilespmem:$0x1F200] =	vst v63  }
0x53: {  	_ =	swait.ge [sflag:s8], $0x80  }
0x54: {  	[sflag:s8] =	ssyncset.done $0x0  }
0x55: {  	[sflag:s8] =	ssyncadd.s32 $0xFFFFFF80  }
0x56: {  	_ =	swait.ge [sflag:s9], $0x2800  }
0x57: {  	[sflag:s9] =	ssyncset.done $0x0  }
0x58: {  	[sflag:s9] =	ssyncadd.s32 $0xFFFFD800  }
0x59: {  	[tilespmem:s7], [sflag:$0x3] =	stream.indirect.gather.add.f32 [hbm:s1], $0x80, s6, s26, $0xb8;
	[tilespmem:$0x1F200] =	vst v63  }
0x5a: {  	_ =	swait.ge [sflag:s10], $0x2800  }
0x5b: {  	[sflag:s10] =	ssyncset.done $0x0  }
0x5c: {  	[sflag:s10] =	ssyncadd.s32 $0xFFFFD800  }
0x5d: {  	[tilespmem:s25], [sflag:$0x7] =	stream.linear.gather [hbm4b:s21+s4], $0x80, $0x38;
	[tilespmem:$0x1F200] =	vst v63  }
0x5e: {  	s15 =	simm.s32 $0x180  }
0x5f: {  	[tilespmem:s28], [sflag:$0x1] =	stream.indirect.gather [spmem:s3], $0x80, s15, s26, $0xb8;
	[tilespmem:$0x1F200] =	vst v63  }
0x60: {  	_ =	swait.ge [sflag:s5], $0x2800  }
0x61: {  	s16 =	rddreg [dreg:$0x6]  }
0x62: {  	[sflag:s5] =	ssyncset.done $0x0;
	s18 =	sadd.s32 $0x0, s16  }
0x63: {  	[sflag:s5] =	ssyncadd.s32 $0xFFFFD800;
	s14 =	sadd.s32 $0x500, s18  }
0x64: {  	[hbm4b:s14+s4] =	stream.linear.scatter [tilespmem:s0], [sflag:$0x5], $0x2800, $0x38;
	[tilespmem:$0x1F200] =	vst v63  }
0x65: {  	_ =	swait.ge [sflag:s29], $0x80  }
0x66: {  	[sflag:s29] =	ssyncset.done $0x0  }
0x67: {  	[sflag:s29] =	ssyncadd.s32 $0xFFFFFF80  }
0x68: {  	_ =	swait.ge [sflag:s30], $0x2800  }
0x69: {  	[sflag:s30] =	ssyncset.done $0x0  }
0x6a: {  	[sflag:s30] =	ssyncadd.s32 $0xFFFFD800  }
0x6b: {  	[tilespmem:s28], [sflag:$0x1] =	stream.indirect.gather.add.f32 [hbm:s1], $0x80, s25, s26, $0xb8;
	[tilespmem:$0x1F200] =	vst v63  }
0x6c: {  	_ =	swait.ge [sflag:s11], $0x2800  }
0x6d: {  	[sflag:s11] =	ssyncset.done $0x0  }
0x6e: {  	[sflag:s11] =	ssyncadd.s32 $0xFFFFD800  }
0x6f: {  	[tilespmem:s31], [sflag:$0x8] =	stream.linear.gather [hbm4b:s20+s4], $0x80, $0x38;
	[tilespmem:$0x1F200] =	vst v63  }
0x70: {  	s17 =	simm.s32 $0x200  }
0x71: {  	[tilespmem:s0], [sflag:$0x2] =	stream.indirect.gather [spmem:s3], $0x80, s17, s26, $0xb8;
	[tilespmem:$0x1F200] =	vst v63  }
0x72: {  	_ =	swait.ge [sflag:s9], $0x2800  }
0x73: {  	[sflag:s9] =	ssyncset.done $0x0  }
0x74: {  	s22 =	sadd.s32 $0xA00, s18;
	[sflag:s9] =	ssyncadd.s32 $0xFFFFD800  }
0x75: {  	[hbm4b:s22+s4] =	stream.linear.scatter [tilespmem:s7], [sflag:$0x6], $0x2800, $0x38;
	[tilespmem:$0x1F200] =	vst v63  }
0x76: {  	_ =	swait.ge [sflag:s2], $0x80  }
0x77: {  	[sflag:s2] =	ssyncset.done $0x0  }
0x78: {  	[sflag:s2] =	ssyncadd.s32 $0xFFFFFF80  }
0x79: {  	_ =	swait.ge [sflag:s5], $0x2800  }
0x7a: {  	[sflag:s5] =	ssyncset.done $0x0  }
0x7b: {  	[sflag:s5] =	ssyncadd.s32 $0xFFFFD800  }
0x7c: {  	[tilespmem:s0], [sflag:$0x2] =	stream.indirect.gather.add.f32 [hbm:s1], $0x80, s31, s26, $0xb8;
	[tilespmem:$0x1F200] =	vst v63  }
0x7d: {  	_ =	swait.ge [sflag:s12], $0x2800  }
0x7e: {  	[sflag:s12] =	ssyncset.done $0x0  }
0x7f: {  	[sflag:s12] =	ssyncadd.s32 $0xFFFFD800  }
0x80: {  	[tilespmem:s6], [sflag:$0x9] =	stream.linear.gather [hbm4b:s19+s4], $0x80, $0x38;
	[tilespmem:$0x1F200] =	vst v63  }
0x81: {  	s23 =	simm.s32 $0x280  }
0x82: {  	[tilespmem:s7], [sflag:$0x3] =	stream.indirect.gather [spmem:s3], $0x80, s23, s26, $0xb8;
	[tilespmem:$0x1F200] =	vst v63  }
0x83: {  	s15 =	sadd.s32 $0x30, s21;
	s16 =	sadd.s32 $0x30, s19;
	_ =	swait.ge [sflag:s30], $0x2800  }
0x84: {  	s14 =	simm.s32 $0xF00;
	s17 =	sadd.s32 $0x30, s20;
	[sflag:s30] =	ssyncset.done $0x0  }
0x85: {  	s22 =	sadd.s32 $0xF00, s18;
	s18 =	simm.s32 $0x400;
	[sflag:s30] =	ssyncadd.s32 $0xFFFFD800  }
.LBB2_2:
0x86: {  	[hbm4b:s22+s4] =	stream.linear.scatter [tilespmem:s28], [sflag:$0x4], $0x2800, $0x38;
	[tilespmem:$0x1F200] =	vst v63  }
0x87: {  	_ =	swait.ge [sflag:s8], $0x80  }
0x88: {  	[sflag:s8] =	ssyncset.done $0x0  }
0x89: {  	[sflag:s8] =	ssyncadd.s32 $0xFFFFFF80  }
0x8a: {  	_ =	swait.ge [sflag:s9], $0x2800  }
0x8b: {  	[sflag:s9] =	ssyncset.done $0x0  }
0x8c: {  	[sflag:s9] =	ssyncadd.s32 $0xFFFFD800  }
0x8d: {  	[tilespmem:s7], [sflag:$0x3] =	stream.indirect.gather.add.f32 [hbm:s1], $0x80, s6, s26, $0xb8;
	[tilespmem:$0x1F200] =	vst v63  }
0x8e: {  	_ =	swait.ge [sflag:s10], $0x2800  }
0x8f: {  	[sflag:s10] =	ssyncset.done $0x0  }
0x90: {  	[sflag:s10] =	ssyncadd.s32 $0xFFFFD800  }
0x91: {  	[tilespmem:s25], [sflag:$0x7] =	stream.linear.gather [hbm4b:s15+s4], $0x80, $0x38;
	[tilespmem:$0x1F200] =	vst v63  }
0x92: {  	s23 =	sadd.s32 $0xFFFFFF00, s18  }
0x93: {  	[tilespmem:s28], [sflag:$0x1] =	stream.indirect.gather [spmem:s3], $0x80, s23, s26, $0xb8;
	[tilespmem:$0x1F200] =	vst v63  }
0x94: {  	_ =	swait.ge [sflag:s5], $0x2800  }
0x95: {  	s22 =	smov.u32 s14;
	s23 =	rddreg [dreg:$0x6]  }
0x96: {  	[sflag:s5] =	ssyncset.done $0x0;
	s22 =	sadd.s32 s22, s23  }
0x97: {  	[sflag:s5] =	ssyncadd.s32 $0xFFFFD800;
	s23 =	sadd.s32 $0x500, s22  }
0x98: {  	[hbm4b:s23+s4] =	stream.linear.scatter [tilespmem:s0], [sflag:$0x5], $0x2800, $0x38;
	[tilespmem:$0x1F200] =	vst v63  }
0x99: {  	_ =	swait.ge [sflag:s29], $0x80  }
0x9a: {  	[sflag:s29] =	ssyncset.done $0x0  }
0x9b: {  	[sflag:s29] =	ssyncadd.s32 $0xFFFFFF80  }
0x9c: {  	_ =	swait.ge [sflag:s30], $0x2800  }
0x9d: {  	[sflag:s30] =	ssyncset.done $0x0  }
0x9e: {  	[sflag:s30] =	ssyncadd.s32 $0xFFFFD800  }
0x9f: {  	[tilespmem:s28], [sflag:$0x1] =	stream.indirect.gather.add.f32 [hbm:s1], $0x80, s25, s26, $0xb8;
	[tilespmem:$0x1F200] =	vst v63  }
0xa0: {  	_ =	swait.ge [sflag:s11], $0x2800  }
0xa1: {  	[sflag:s11] =	ssyncset.done $0x0  }
0xa2: {  	[sflag:s11] =	ssyncadd.s32 $0xFFFFD800  }
0xa3: {  	[tilespmem:s31], [sflag:$0x8] =	stream.linear.gather [hbm4b:s17+s4], $0x80, $0x38;
	[tilespmem:$0x1F200] =	vst v63  }
0xa4: {  	s23 =	sadd.s32 $0xFFFFFF80, s18  }
0xa5: {  	[tilespmem:s0], [sflag:$0x2] =	stream.indirect.gather [spmem:s3], $0x80, s23, s26, $0xb8;
	[tilespmem:$0x1F200] =	vst v63  }
0xa6: {  	_ =	swait.ge [sflag:s9], $0x2800  }
0xa7: {  	[sflag:s9] =	ssyncset.done $0x0  }
0xa8: {  	s23 =	sadd.s32 $0xA00, s22;
	[sflag:s9] =	ssyncadd.s32 $0xFFFFD800  }
0xa9: {  	[hbm4b:s23+s4] =	stream.linear.scatter [tilespmem:s7], [sflag:$0x6], $0x2800, $0x38;
	[tilespmem:$0x1F200] =	vst v63  }
0xaa: {  	_ =	swait.ge [sflag:s2], $0x80  }
0xab: {  	[sflag:s2] =	ssyncset.done $0x0  }
0xac: {  	[sflag:s2] =	ssyncadd.s32 $0xFFFFFF80  }
0xad: {  	_ =	swait.ge [sflag:s5], $0x2800  }
0xae: {  	[sflag:s5] =	ssyncset.done $0x0  }
0xaf: {  	[sflag:s5] =	ssyncadd.s32 $0xFFFFD800  }
0xb0: {  	[tilespmem:s0], [sflag:$0x2] =	stream.indirect.gather.add.f32 [hbm:s1], $0x80, s31, s26, $0xb8;
	[tilespmem:$0x1F200] =	vst v63  }
0xb1: {  	_ =	swait.ge [sflag:s12], $0x2800  }
0xb2: {  	[sflag:s12] =	ssyncset.done $0x0  }
0xb3: {  	p1 =	sne.s32 s14, $0x24900;
	[sflag:s12] =	ssyncadd.s32 $0xFFFFD800  }
0xb4: {  	[tilespmem:s6], [sflag:$0x9] =	stream.linear.gather [hbm4b:s16+s4], $0x80, $0x38;
	[tilespmem:$0x1F200] =	vst v63  }
.Ltmp0:
0xb5: {  	_ = 	snop;
	(pc) =	sbr.rel @p1 .LBB2_2-.Ltmp0, $4  }
0xb6: {  	[tilespmem:s7], [sflag:$0x3] =	stream.indirect.gather [spmem:s3], $0x80, s18, s26, $0xb8;
	[tilespmem:$0x1F200] =	vst v63  }
0xb7: {  	s14 =	sadd.s32 $0xF00, s14;
	s15 =	sadd.s32 $0x30, s15;
	_ =	swait.ge [sflag:s30], $0x2800  }
0xb8: {  	s17 =	sadd.s32 $0x30, s17;
	s22 =	sadd.s32 $0xF00, s22;
	[sflag:s30] =	ssyncset.done $0x0  }
0xb9: {  	s16 =	sadd.s32 $0x30, s16;
	s18 =	sadd.s32 $0x180, s18;
	[sflag:s30] =	ssyncadd.s32 $0xFFFFD800  }
0xba: {  	[hbm4b:s22+s4] =	stream.linear.scatter [tilespmem:s28], [sflag:$0x4], $0x2800, $0x38;
	[tilespmem:$0x1F200] =	vst v63  }
0xbb: {  	_ =	swait.ge [sflag:s8], $0x80  }
0xbc: {  	[sflag:s8] =	ssyncset.done $0x0  }
0xbd: {  	[sflag:s8] =	ssyncadd.s32 $0xFFFFFF80  }
0xbe: {  	_ =	swait.ge [sflag:s9], $0x2800  }
0xbf: {  	[sflag:s9] =	ssyncset.done $0x0  }
0xc0: {  	[sflag:s9] =	ssyncadd.s32 $0xFFFFD800  }
0xc1: {  	[tilespmem:s7], [sflag:$0x3] =	stream.indirect.gather.add.f32 [hbm:s1], $0x80, s6, s26, $0xb8;
	[tilespmem:$0x1F200] =	vst v63  }
0xc2: {  	_ =	swait.ge [sflag:s10], $0x2800  }
0xc3: {  	[sflag:s10] =	ssyncset.done $0x0  }
0xc4: {  	s14 =	rddreg [dreg:$0xe];
	[sflag:s10] =	ssyncadd.s32 $0xFFFFD800  }
0xc5: {  	[tilespmem:s25], [sflag:$0x7] =	stream.linear.gather [hbm4b:s14+s4], $0x80, $0x38;
	[tilespmem:$0x1F200] =	vst v63  }
0xc6: {  	s22 =	simm.s32 $0x3D80  }
0xc7: {  	[tilespmem:s28], [sflag:$0x1] =	stream.indirect.gather [spmem:s3], $0x80, s22, s26, $0xb8;
	[tilespmem:$0x1F200] =	vst v63  }
0xc8: {  	_ =	swait.ge [sflag:s5], $0x2800  }
0xc9: {  	[sflag:s5] =	ssyncset.done $0x0  }
0xca: {  	s23 =	rddreg [dreg:$0xf];
	[sflag:s5] =	ssyncadd.s32 $0xFFFFD800  }
0xcb: {  	[hbm4b:s23+s4] =	stream.linear.scatter [tilespmem:s0], [sflag:$0x5], $0x2800, $0x38;
	[tilespmem:$0x1F200] =	vst v63  }
0xcc: {  	_ =	swait.ge [sflag:s29], $0x80  }
0xcd: {  	[sflag:s29] =	ssyncset.done $0x0  }
0xce: {  	[sflag:s29] =	ssyncadd.s32 $0xFFFFFF80  }
0xcf: {  	_ =	swait.ge [sflag:s30], $0x2800  }
0xd0: {  	[sflag:s30] =	ssyncset.done $0x0  }
0xd1: {  	[sflag:s30] =	ssyncadd.s32 $0xFFFFD800  }
0xd2: {  	[tilespmem:s28], [sflag:$0x1] =	stream.indirect.gather.add.f32 [hbm:s1], $0x80, s25, s26, $0xb8;
	[tilespmem:$0x1F200] =	vst v63  }
0xd3: {  	_ =	swait.ge [sflag:s11], $0x2800  }
0xd4: {  	[sflag:s11] =	ssyncset.done $0x0  }
0xd5: {  	s15 =	rddreg [dreg:$0x10];
	[sflag:s11] =	ssyncadd.s32 $0xFFFFD800  }
0xd6: {  	[tilespmem:s31], [sflag:$0x8] =	stream.linear.gather [hbm4b:s15+s4], $0x80, $0x38;
	[tilespmem:$0x1F200] =	vst v63  }
0xd7: {  	s16 =	simm.s32 $0x3E00  }
0xd8: {  	[tilespmem:s0], [sflag:$0x2] =	stream.indirect.gather [spmem:s3], $0x80, s16, s26, $0xb8;
	[tilespmem:$0x1F200] =	vst v63  }
0xd9: {  	_ =	swait.ge [sflag:s9], $0x2800  }
0xda: {  	[sflag:s9] =	ssyncset.done $0x0  }
0xdb: {  	s17 =	rddreg [dreg:$0x11];
	[sflag:s9] =	ssyncadd.s32 $0xFFFFD800  }
0xdc: {  	[hbm4b:s17+s4] =	stream.linear.scatter [tilespmem:s7], [sflag:$0x6], $0x2800, $0x38;
	[tilespmem:$0x1F200] =	vst v63  }
0xdd: {  	_ =	swait.ge [sflag:s2], $0x80  }
0xde: {  	[sflag:s2] =	ssyncset.done $0x0  }
0xdf: {  	[sflag:s2] =	ssyncadd.s32 $0xFFFFFF80  }
0xe0: {  	_ =	swait.ge [sflag:s5], $0x2800  }
0xe1: {  	[sflag:s5] =	ssyncset.done $0x0  }
0xe2: {  	[sflag:s5] =	ssyncadd.s32 $0xFFFFD800  }
0xe3: {  	[tilespmem:s0], [sflag:$0x2] =	stream.indirect.gather.add.f32 [hbm:s1], $0x80, s31, s26, $0xb8;
	[tilespmem:$0x1F200] =	vst v63  }
0xe4: {  	_ =	swait.ge [sflag:s30], $0x2800  }
0xe5: {  	[sflag:s30] =	ssyncset.done $0x0  }
0xe6: {  	s18 =	rddreg [dreg:$0x12];
	[sflag:s30] =	ssyncadd.s32 $0xFFFFD800  }
0xe7: {  	[hbm4b:s18+s4] =	stream.linear.scatter [tilespmem:s28], [sflag:$0x4], $0x2800, $0x38;
	[tilespmem:$0x1F200] =	vst v63  }
0xe8: {  	_ =	swait.ge [sflag:s12], $0x2800  }
0xe9: {  	[sflag:s12] =	ssyncset.done $0x0  }
0xea: {  	[sflag:s12] =	ssyncadd.s32 $0xFFFFD800  }
0xeb: {  	_ =	swait.ge [sflag:s5], $0x2800  }
0xec: {  	[sflag:s5] =	ssyncset.done $0x0  }
0xed: {  	s22 =	rddreg [dreg:$0x13];
	[sflag:s5] =	ssyncadd.s32 $0xFFFFD800  }
0xee: {  	[hbm4b:s22+s4] =	stream.linear.scatter [tilespmem:s0], [sflag:$0x5], $0x2800, $0x38;
	[tilespmem:$0x1F200] =	vst v63  }
0xef: {  	_ =	swait.ge [sflag:s10], $0x2800  }
0xf0: {  	[sflag:s10] =	ssyncset.done $0x0  }
0xf1: {  	[sflag:s10] =	ssyncadd.s32 $0xFFFFD800  }
0xf2: {  	_ =	swait.ge [sflag:s11], $0x2800  }
0xf3: {  	s13 =	sadd.s32 $0x1, s13;
	s23 =	rddreg [dreg:$0x14]  }
0xf4: {  	p1 =	sne.s32 s13, s23  }
.Ltmp1:
0xf5: {  	_ = 	snop;
	(pc) =	sbr.rel @p1 .LBB2_1-.Ltmp1, $3  }
0xf6: {  	_ =	sdelay $0x1  }
0xf7: {  	[sflag:s11] =	ssyncset.done $0x0  }
0xf8: {  	[sflag:s11] =	ssyncadd.s32 $0xFFFFD800  }
0xf9: {  	_ =	sfence.sel $0x180000  }
0xfa: {  	[bflag:$0x0] =	sbarrier.arrive $0xFFFF  }
0xfb: {  	_ =	strace $0x90000047  }
0xfc: {  	s0 =	stileid.u32;
	[bflag:$0x2] =	sbarrier.arrive $0xFFFF  }
0xfd: {  	p0 =	sne.s32 s0, $0x0;
	s0 =	rddreg [dreg:$0x5]  }
0xfe: {  	s0 =	sadd.s32 @!p0 $0x100000, s0  }
0xff: {  	[sflag:s0] =	ssyncadd.tile.s32 @!p0 $0x1;
	_ =	shalt  }
.Lfunc_end2:
_tile_overlayer_lowered:
.L_overlay_start_2:
0x100: {  	(tag) =	ssettag $0x2  }
0x101: {  	s0 =	rddreg [dreg:$0x0];
	s2 =	stileid.u32  }
0x102: {  	s1 =	rddreg [dreg:$0x1];
	p0 =	sne.s32 s2, $0x0  }
0x103: {  	s3 =	rddreg [dreg:$0x2];
	[bflag:$0x3] =	sbarrier.arrive $0xFFFF;
	s2 =	simm.s32 @!p0 $0x1C0A  }
0x104: {  	[timem:s3], [sflag:s2] =	dma.local @!p0 [hbm:s0], s1  }
0x105: {  	s0 =	simm.s32 @!p0 $0xA  }
0x106: {  	_ =	swait.ge @!p0 [sflag:s0], s1  }
0x107: {  	s1 =	ssub.s32 @!p0 $0x0, s1;
	[sflag:s0] =	ssyncset.done @!p0 $0x0  }
0x108: {  	[sflag:s0] =	ssyncadd.s32 @!p0 s1  }
0x109: {  	[bflag:$0x3] =	sbarrier.arrive $0xFFFF  }
0x10a: {  	_ =	shalt  }

</sc_bundles>
